<compile_context>
chip_gen: v7x
topology: tpu7x:2x2x1
jax: 0.10.2.dev20260603
libtpu: 0.0.44.dev20260713+nightly
codegen_flags: <defaults>
</compile_context>

<pallas_src>
import functools
import math

import jax
import jax.numpy as jnp
from jax import lax
from jax.experimental import pallas as pl
from jax.experimental.pallas import tpu as pltpu
from jax.experimental.pallas import tpu_sc as plsc

N = 10000
D = 128
HIDDEN = math.ceil(0.6 * D)
E = 320000

NC, NS = 2, 16
NW = NC * NS
CHUNK = 128
NCHUNK = 80
HALF = NCHUNK // 2
EPAD = NW * NCHUNK * CHUNK
PAD_ROWS = 112
ROWS = N + PAD_ROWS
RPS = ROWS // NS



def _deg_body(dst_hbm, zeros_hbm, ones_hbm, out_hbm, dst_v, ones_v, deg_v,
              deg_sh, deg_sem):
    c = lax.axis_index("c")
    s = lax.axis_index("s")
    wid = s * NC + c

    @pl.when(s == 0)
    def _():
        pltpu.sync_copy(zeros_hbm, deg_v)
        pltpu.sync_copy(deg_v, deg_sh)

    plsc.subcore_barrier()
    pltpu.sync_copy(dst_hbm.at[wid], dst_v)
    pltpu.sync_copy(ones_hbm, ones_v)

    def body(j, carry):
        pltpu.async_copy(ones_v, deg_sh.at[dst_v.at[j]], deg_sem, add=True)
        return carry

    lax.fori_loop(0, NCHUNK, body, 0)

    def drain(j, carry):
        pltpu.make_async_copy(ones_v, deg_sh.at[dst_v.at[0]], deg_sem).wait()
        return carry

    lax.fori_loop(0, NCHUNK, drain, 0)
    plsc.subcore_barrier()

    @pl.when(s == 0)
    def _():
        pltpu.sync_copy(deg_sh, deg_v)
        pltpu.sync_copy(deg_v, out_hbm.at[pl.ds(c * ROWS, ROWS)])




def _agg_body(y_hbm, src_hbm, dst_hbm, zeros_hbm, out_hbm,
              src_v, dst_v, buf0, buf1, acc_sh, gs0, gs1, ss0, ss1):
    c = lax.axis_index("c")
    s = lax.axis_index("s")
    wid = s * NC + c

    for h in range(2):
        pltpu.sync_copy(src_hbm.at[wid, pl.ds(h * HALF, HALF)], src_v)
        pltpu.sync_copy(dst_hbm.at[wid, pl.ds(h * HALF, HALF)], dst_v)
        pltpu.async_copy(y_hbm.at[src_v.at[0]], buf0, gs0)
        if h == 0:
            pltpu.sync_copy(zeros_hbm, acc_sh.at[pl.ds(s * RPS, RPS)])
            plsc.subcore_barrier()

        def body(p, carry):
            j0 = 2 * p
            pltpu.async_copy(y_hbm.at[src_v.at[j0 + 1]], buf1, gs1)
            pltpu.make_async_copy(y_hbm.at[src_v.at[j0]], buf0, gs0).wait()
            pltpu.sync_copy(buf0, acc_sh.at[dst_v.at[j0]], add=True)
            pltpu.async_copy(y_hbm.at[src_v.at[j0 + 2]], buf0, gs0)
            pltpu.make_async_copy(y_hbm.at[src_v.at[j0 + 1]], buf1,
                                  gs1).wait()
            pltpu.sync_copy(buf1, acc_sh.at[dst_v.at[j0 + 1]], add=True)
            return carry

        lax.fori_loop(0, HALF // 2 - 1, body, 0)
        pltpu.async_copy(y_hbm.at[src_v.at[HALF - 1]], buf1, gs1)
        pltpu.make_async_copy(y_hbm.at[src_v.at[HALF - 2]], buf0,
                              gs0).wait()
        pltpu.sync_copy(buf0, acc_sh.at[dst_v.at[HALF - 2]], add=True)
        pltpu.make_async_copy(y_hbm.at[src_v.at[HALF - 1]], buf1,
                              gs1).wait()
        pltpu.sync_copy(buf1, acc_sh.at[dst_v.at[HALF - 1]], add=True)
    plsc.subcore_barrier()
    pltpu.sync_copy(acc_sh.at[pl.ds(s * RPS, RPS)],
                    out_hbm.at[pl.ds(c * ROWS + s * RPS, RPS)])


@functools.cache
def _build_sc_calls():
    mesh = plsc.VectorSubcoreMesh(core_axis_name="c", subcore_axis_name="s",
                                  num_cores=NC, num_subcores=NS)
    deg_call = pl.kernel(
        _deg_body,
        out_type=jax.ShapeDtypeStruct((NC * ROWS,), jnp.float32),
        mesh=mesh,
        scratch_types=[
            pltpu.VMEM((NCHUNK, CHUNK), jnp.int32),
            pltpu.VMEM((CHUNK,), jnp.float32),
            pltpu.VMEM((ROWS,), jnp.float32),
            pltpu.VMEM_SHARED((ROWS,), jnp.float32),
            pltpu.SemaphoreType.DMA,
        ],
    )
    agg_call = pl.kernel(
        _agg_body,
        out_type=jax.ShapeDtypeStruct((NC * ROWS, D), jnp.float32),
        mesh=mesh,
        scratch_types=[
            pltpu.VMEM((HALF, CHUNK), jnp.int32),
            pltpu.VMEM((HALF, CHUNK), jnp.int32),
            pltpu.VMEM((CHUNK, D), jnp.float32),
            pltpu.VMEM((CHUNK, D), jnp.float32),
            pltpu.VMEM_SHARED((ROWS, D), jnp.float32),
            pltpu.SemaphoreType.DMA,
            pltpu.SemaphoreType.DMA,
            pltpu.SemaphoreType.DMA,
            pltpu.SemaphoreType.DMA,
        ],
    )
    return deg_call, agg_call


BLK = 2000


def _xw_body(x_ref, w_ref, degt_ref, y_ref):
    deg = degt_ref[:, 0] + degt_ref[:, 1] + 1.0
    dinv = lax.rsqrt(deg)
    xw = jnp.dot(x_ref[...], w_ref[...], preferred_element_type=jnp.float32)
    y_ref[...] = xw * dinv[:, None]


def _xw_call(x, w, degt):
    return pl.pallas_call(
        _xw_body,
        grid=(N // BLK,),
        in_specs=[
            pl.BlockSpec((BLK, D), lambda i: (i, 0)),
            pl.BlockSpec((D, D), lambda i: (0, 0)),
            pl.BlockSpec((BLK, 2), lambda i: (i, 0)),
        ],
        out_specs=pl.BlockSpec((BLK, D), lambda i: (i, 0)),
        out_shape=jax.ShapeDtypeStruct((N, D), jnp.float32),
    )(x, w, degt)


def _mlp_body(acc_ref, y_ref, degt_ref, bg_ref, w1_ref, b1_ref, w2_ref,
              b2_ref, out_ref):
    deg = degt_ref[:, 0] + degt_ref[:, 1] + 1.0
    dinv = lax.rsqrt(deg)
    pre = (acc_ref[0] + acc_ref[1] + y_ref[...]) * dinv[:, None] + bg_ref[...]
    h = jnp.maximum(pre, 0.0)
    h = jnp.tanh(jnp.dot(h, w1_ref[...], preferred_element_type=jnp.float32)
                 + b1_ref[...])
    h = jnp.tanh(jnp.dot(h, w2_ref[...], preferred_element_type=jnp.float32)
                 + b2_ref[...])
    out_ref[...] = h


def _mlp_call(acc, y, degt, bg, w1p, b1p, w2p, b2):
    return pl.pallas_call(
        _mlp_body,
        grid=(N // BLK,),
        in_specs=[
            pl.BlockSpec((NC, BLK, D), lambda i: (0, i, 0)),
            pl.BlockSpec((BLK, D), lambda i: (i, 0)),
            pl.BlockSpec((BLK, 2), lambda i: (i, 0)),
            pl.BlockSpec((1, D), lambda i: (0, 0)),
            pl.BlockSpec((D, D), lambda i: (0, 0)),
            pl.BlockSpec((1, D), lambda i: (0, 0)),
            pl.BlockSpec((D, D), lambda i: (0, 0)),
            pl.BlockSpec((1, D), lambda i: (0, 0)),
        ],
        out_specs=pl.BlockSpec((BLK, D), lambda i: (i, 0)),
        out_shape=jax.ShapeDtypeStruct((N, D), jnp.float32),
    )(acc, y, degt, bg, w1p, b1p, w2p, b2)


def kernel(x, batch_edge_index, W_gcn, b_gcn, W1, b1, W2, b2):
    src = batch_edge_index[0].astype(jnp.int32)
    dst = batch_edge_index[1].astype(jnp.int32)

    pad_n = EPAD - E
    pad_ar = lax.iota(jnp.int32, pad_n)
    src_p = jnp.concatenate([src, pad_ar % N]).reshape(NW, NCHUNK, CHUNK)
    dst_p = jnp.concatenate([dst, N + pad_ar % PAD_ROWS]).reshape(
        NW, NCHUNK, CHUNK)

    zeros1 = jnp.zeros((ROWS,), jnp.float32)
    ones_c = jnp.ones((CHUNK,), jnp.float32)
    zeros2 = jnp.zeros((RPS, D), jnp.float32)

    deg_call, agg_call = _build_sc_calls()
    degs = deg_call(dst_p, zeros1, ones_c).reshape(NC, ROWS)
    degt = degs[:, :N].T

    y = _xw_call(x, W_gcn, degt)

    acc = agg_call(y, src_p, dst_p, zeros2).reshape(NC, ROWS, D)

    w1p = jnp.zeros((D, D), jnp.float32).at[:, :HIDDEN].set(W1)
    b1p = jnp.zeros((1, D), jnp.float32).at[0, :HIDDEN].set(b1)
    w2p = jnp.zeros((D, D), jnp.float32).at[:HIDDEN].set(W2)

    h = _mlp_call(acc, y, degt, b_gcn[None, :], w1p, b1p, w2p,
                  b2[None, :])
    return h

# --- scband reference (transcript-rebuilt; emitter-appended) ---
"""Pipeline reference for scband-graph-learning2-85607288143885 (READ-ONLY COPY).

The authoritative reference and input builder live on the scoring server;
editing this copy changes nothing except your own understanding.
"""

import jax, jax.numpy as jnp
import numpy as np
import math

N_NODES = 10000
N_EDGES = 320000
D = 128
HIDDEN = math.ceil(0.6 * D)  # 77

def setup_inputs(seed: int = 0) -> dict:
    key = jax.random.key(seed)
    ks = jax.random.split(key, 8)
    x = jax.random.normal(ks[0], (N_NODES, D), dtype=jnp.float32)
    edge_index = jax.random.randint(ks[1], (2, N_EDGES), 0, N_NODES, dtype=jnp.int64)
    s = 1.0 / jnp.sqrt(D)
    W_gcn = jax.random.uniform(ks[2], (D, D), dtype=jnp.float32, minval=-s, maxval=s)
    b_gcn = jnp.zeros((D,), dtype=jnp.float32)
    sh = 1.0 / jnp.sqrt(D)
    W1 = jax.random.uniform(ks[3], (D, HIDDEN), dtype=jnp.float32, minval=-sh, maxval=sh)
    b1 = jax.random.uniform(ks[4], (HIDDEN,), dtype=jnp.float32, minval=-sh, maxval=sh)
    sh2 = 1.0 / jnp.sqrt(HIDDEN)
    W2 = jax.random.uniform(ks[5], (HIDDEN, D), dtype=jnp.float32, minval=-sh2, maxval=sh2)
    b2 = jax.random.uniform(ks[6], (D,), dtype=jnp.float32, minval=-sh2, maxval=sh2)
    return {"x": x, "batch_edge_index": edge_index, "W_gcn": W_gcn, "b_gcn": b_gcn, "W1": W1, "b1": b1, "W2": W2, "b2": b2}

def reference(x, batch_edge_index, W_gcn, b_gcn, W1, b1, W2, b2):
    N = x.shape[0]
    loop = jnp.arange(N, dtype=batch_edge_index.dtype)
    src = jnp.concatenate([batch_edge_index[0], loop])
    dst = jnp.concatenate([batch_edge_index[1], loop])
    # GCNConv: x' = D^-1/2 (A+I) D^-1/2 X W + b
    xw = x @ W_gcn
    deg = jnp.zeros((N,), dtype=jnp.float32).at[dst].add(1.0)
    dinv = jnp.where(deg > 0, 1.0 / jnp.sqrt(deg), 0.0)
    norm = dinv[src] * dinv[dst]
    msg = xw[src] * norm[:, None]
    out = jnp.zeros((N, xw.shape[1]), dtype=jnp.float32).at[dst].add(msg) + b_gcn
    h = jax.nn.relu(out)
    h = jnp.tanh(h @ W1 + b1)
    h = jnp.tanh(h @ W2 + b2)
    return h

if __name__ == "__main__":
    import jax
    _d = setup_inputs()
    print(jax.jit(kernel)(*tuple(_d.values())))

</pallas_src>

<mosaic_0001>
#map = affine_map<(d0, d1) -> (0, 0)>
#map1 = affine_map<(d0, d1) -> (0, 0, 0)>
module attributes {stable_mosaic.version = 14 : i64} {
  func.func @_agg_body(%arg0: i32, %arg1: i32, %arg2: memref<10000x128xf32, #tpu.memory_space<hbm>>, %arg3: memref<32x80x128xi32, #tpu.memory_space<hbm>>, %arg4: memref<32x80x128xi32, #tpu.memory_space<hbm>>, %arg5: memref<632x128xf32, #tpu.memory_space<hbm>>, %arg6: memref<20224x128xf32, #tpu.memory_space<hbm>>, %arg7: memref<40x128xi32, #tpu.memory_space<vmem>>, %arg8: memref<40x128xi32, #tpu.memory_space<vmem>>, %arg9: memref<128x128xf32, #tpu.memory_space<vmem>>, %arg10: memref<128x128xf32, #tpu.memory_space<vmem>>, %arg11: memref<10112x128xf32, #tpu.memory_space<vmem_shared>>, %arg12: memref<!tpu.dma_semaphore, #tpu.memory_space<semaphore_mem>>, %arg13: memref<!tpu.dma_semaphore, #tpu.memory_space<semaphore_mem>>, %arg14: memref<!tpu.dma_semaphore, #tpu.memory_space<semaphore_mem>>, %arg15: memref<!tpu.dma_semaphore, #tpu.memory_space<semaphore_mem>>) attributes {dimension_semantics = [#tpu.dimension_semantics<core_parallel>, #tpu.dimension_semantics<subcore_parallel>], iteration_bounds = array<i64: 2, 16>, scalar_prefetch = 0 : i64, scratch_operands = 9 : i64, tpu.core_type = #tpu.core_type<sc_vector_subcore>, window_params = [{transform_indices = #map}, {transform_indices = #map1}, {transform_indices = #map1}, {transform_indices = #map}, {transform_indices = #map}]} {
    %mul3A = arith.constant 2 : i32
    %mul3A_0 = arith.muli %arg1, %mul3A : i32
    %add3A = arith.addi %mul3A_0, %arg0 : i32
    "tpu.region"() ({
      %run_scoped3A_79 = tpu.sem_alloc : memref<!tpu.dma_semaphore, #tpu.memory_space<semaphore_mem>>
      %dma_start3A_80 = arith.constant 0 : i32
      %dma_start3A_81 = arith.constant 0 : i32
      %dma_start3A_82 = tpu.memref_slice %arg3[%add3A, %dma_start3A_80, %dma_start3A_81] : memref<32x80x128xi32, #tpu.memory_space<hbm>> -> memref<1x40x128xi32, #tpu.memory_space<hbm>>
      %dma_start3A_83 = tpu.memref_squeeze %dma_start3A_82 : memref<1x40x128xi32, #tpu.memory_space<hbm>> -> memref<40x128xi32, #tpu.memory_space<hbm>>
      %dma_start3A_84 = arith.constant 0 : i32
      %dma_start3A_85 = arith.constant 0 : i32
      %dma_start3A_86 = tpu.memref_slice %arg3[%add3A, %dma_start3A_84, %dma_start3A_85] : memref<32x80x128xi32, #tpu.memory_space<hbm>> -> memref<1x40x128xi32, #tpu.memory_space<hbm>>
      %dma_start3A_87 = tpu.memref_squeeze %dma_start3A_86 : memref<1x40x128xi32, #tpu.memory_space<hbm>> -> memref<40x128xi32, #tpu.memory_space<hbm>>
      tpu.enqueue_dma source(%dma_start3A_87 : memref<40x128xi32, #tpu.memory_space<hbm>>) target(%arg7 : memref<40x128xi32, #tpu.memory_space<vmem>>) target_semaphore(%run_scoped3A_79 : memref<!tpu.dma_semaphore, #tpu.memory_space<semaphore_mem>>)
      %dma_wait3A_88 = arith.constant 0 : i32
      %dma_wait3A_89 = arith.constant 0 : i32
      %dma_wait3A_90 = tpu.memref_slice %arg3[%add3A, %dma_wait3A_88, %dma_wait3A_89] : memref<32x80x128xi32, #tpu.memory_space<hbm>> -> memref<1x40x128xi32, #tpu.memory_space<hbm>>
      %dma_wait3A_91 = tpu.memref_squeeze %dma_wait3A_90 : memref<1x40x128xi32, #tpu.memory_space<hbm>> -> memref<40x128xi32, #tpu.memory_space<hbm>>
      %dma_wait3A_92 = arith.constant 0 : i32
      %dma_wait3A_93 = arith.constant 0 : i32
      %dma_wait3A_94 = tpu.memref_slice %arg3[%add3A, %dma_wait3A_92, %dma_wait3A_93] : memref<32x80x128xi32, #tpu.memory_space<hbm>> -> memref<1x40x128xi32, #tpu.memory_space<hbm>>
      %dma_wait3A_95 = tpu.memref_squeeze %dma_wait3A_94 : memref<1x40x128xi32, #tpu.memory_space<hbm>> -> memref<40x128xi32, #tpu.memory_space<hbm>>
      tpu.wait_dma2 semaphore(%run_scoped3A_79 : memref<!tpu.dma_semaphore, #tpu.memory_space<semaphore_mem>>) src(%dma_wait3A_95 : memref<40x128xi32, #tpu.memory_space<hbm>>) dst(%arg7 : memref<40x128xi32, #tpu.memory_space<vmem>>)
      tpu.yield
    }) : () -> ()
    "tpu.region"() ({
      %run_scoped3A_79 = tpu.sem_alloc : memref<!tpu.dma_semaphore, #tpu.memory_space<semaphore_mem>>
      %dma_start3A_80 = arith.constant 0 : i32
      %dma_start3A_81 = arith.constant 0 : i32
      %dma_start3A_82 = tpu.memref_slice %arg4[%add3A, %dma_start3A_80, %dma_start3A_81] : memref<32x80x128xi32, #tpu.memory_space<hbm>> -> memref<1x40x128xi32, #tpu.memory_space<hbm>>
      %dma_start3A_83 = tpu.memref_squeeze %dma_start3A_82 : memref<1x40x128xi32, #tpu.memory_space<hbm>> -> memref<40x128xi32, #tpu.memory_space<hbm>>
      %dma_start3A_84 = arith.constant 0 : i32
      %dma_start3A_85 = arith.constant 0 : i32
      %dma_start3A_86 = tpu.memref_slice %arg4[%add3A, %dma_start3A_84, %dma_start3A_85] : memref<32x80x128xi32, #tpu.memory_space<hbm>> -> memref<1x40x128xi32, #tpu.memory_space<hbm>>
      %dma_start3A_87 = tpu.memref_squeeze %dma_start3A_86 : memref<1x40x128xi32, #tpu.memory_space<hbm>> -> memref<40x128xi32, #tpu.memory_space<hbm>>
      tpu.enqueue_dma source(%dma_start3A_87 : memref<40x128xi32, #tpu.memory_space<hbm>>) target(%arg8 : memref<40x128xi32, #tpu.memory_space<vmem>>) target_semaphore(%run_scoped3A_79 : memref<!tpu.dma_semaphore, #tpu.memory_space<semaphore_mem>>)
      %dma_wait3A_88 = arith.constant 0 : i32
      %dma_wait3A_89 = arith.constant 0 : i32
      %dma_wait3A_90 = tpu.memref_slice %arg4[%add3A, %dma_wait3A_88, %dma_wait3A_89] : memref<32x80x128xi32, #tpu.memory_space<hbm>> -> memref<1x40x128xi32, #tpu.memory_space<hbm>>
      %dma_wait3A_91 = tpu.memref_squeeze %dma_wait3A_90 : memref<1x40x128xi32, #tpu.memory_space<hbm>> -> memref<40x128xi32, #tpu.memory_space<hbm>>
      %dma_wait3A_92 = arith.constant 0 : i32
      %dma_wait3A_93 = arith.constant 0 : i32
      %dma_wait3A_94 = tpu.memref_slice %arg4[%add3A, %dma_wait3A_92, %dma_wait3A_93] : memref<32x80x128xi32, #tpu.memory_space<hbm>> -> memref<1x40x128xi32, #tpu.memory_space<hbm>>
      %dma_wait3A_95 = tpu.memref_squeeze %dma_wait3A_94 : memref<1x40x128xi32, #tpu.memory_space<hbm>> -> memref<40x128xi32, #tpu.memory_space<hbm>>
      tpu.wait_dma2 semaphore(%run_scoped3A_79 : memref<!tpu.dma_semaphore, #tpu.memory_space<semaphore_mem>>) src(%dma_wait3A_95 : memref<40x128xi32, #tpu.memory_space<hbm>>) dst(%arg8 : memref<40x128xi32, #tpu.memory_space<vmem>>)
      tpu.yield
    }) : () -> ()
    %dma_start3A = arith.constant 0 : i32
    %dma_start3A_1 = arith.constant 0 : i32
    %dma_start3A_2 = tpu.memref_slice %arg7[%dma_start3A, %dma_start3A_1] : memref<40x128xi32, #tpu.memory_space<vmem>> -> memref<1x128xi32, #tpu.memory_space<vmem>>
    %dma_start3A_3 = tpu.memref_squeeze %dma_start3A_2 : memref<1x128xi32, #tpu.memory_space<vmem>> -> memref<128xi32, #tpu.memory_space<vmem>>
    %dma_start3A_4 = arith.constant 0 : i32
    %dma_start3A_5 = arith.constant 0 : i32
    %dma_start3A_6 = tpu.memref_slice %arg2[%dma_start3A_4, %dma_start3A_5] : memref<10000x128xf32, #tpu.memory_space<hbm>> -> memref<10000x128xf32, #tpu.memory_space<hbm>>
    tpu.enqueue_indirect_dma source(%dma_start3A_6 : memref<10000x128xf32, #tpu.memory_space<hbm>>) target(%arg9 : memref<128x128xf32, #tpu.memory_space<vmem>>) offsets(%dma_start3A_3 : memref<128xi32, #tpu.memory_space<vmem>>) semaphore(%arg12 : memref<!tpu.dma_semaphore, #tpu.memory_space<semaphore_mem>>)
    %mul3A_7 = arith.constant 632 : i32
    %mul3A_8 = arith.muli %arg1, %mul3A_7 : i32
    "tpu.region"() ({
      %run_scoped3A_79 = tpu.sem_alloc : memref<!tpu.dma_semaphore, #tpu.memory_space<semaphore_mem>>
      %dma_start3A_80 = arith.constant 0 : i32
      %dma_start3A_81 = tpu.memref_slice %arg11[%mul3A_8, %dma_start3A_80] : memref<10112x128xf32, #tpu.memory_space<vmem_shared>> -> memref<632x128xf32, #tpu.memory_space<vmem_shared>>
      tpu.enqueue_dma source(%arg5 : memref<632x128xf32, #tpu.memory_space<hbm>>) target(%dma_start3A_81 : memref<632x128xf32, #tpu.memory_space<vmem_shared>>) target_semaphore(%run_scoped3A_79 : memref<!tpu.dma_semaphore, #tpu.memory_space<semaphore_mem>>)
      %dma_wait3A_82 = arith.constant 0 : i32
      %dma_wait3A_83 = tpu.memref_slice %arg11[%mul3A_8, %dma_wait3A_82] : memref<10112x128xf32, #tpu.memory_space<vmem_shared>> -> memref<632x128xf32, #tpu.memory_space<vmem_shared>>
      tpu.wait_dma2 semaphore(%run_scoped3A_79 : memref<!tpu.dma_semaphore, #tpu.memory_space<semaphore_mem>>) src(%arg5 : memref<632x128xf32, #tpu.memory_space<hbm>>) dst(%dma_wait3A_83 : memref<632x128xf32, #tpu.memory_space<vmem_shared>>)
      tpu.yield
    }) : () -> ()
    %barrier3A = arith.constant 0 : index
    tpu.barrier barrier_id(%barrier3A)
    %scan3A = arith.constant 0 : i32
    %scan3A_9 = arith.constant 0 : i32
    %scan3A_10 = arith.constant 19 : i32
    %scan3A_11 = arith.addi %scan3A_9, %scan3A_10 : i32
    %scan3A_12 = arith.constant 1 : i32
    scf.for %scan3A_79 = %scan3A_9 to %scan3A_11 step %scan3A_12  : i32 {
      %mul3A_80 = arith.constant 2 : i32
      %mul3A_81 = arith.muli %mul3A_80, %scan3A_79 : i32
      %add3A_82 = arith.constant 1 : i32
      %add3A_83 = arith.addi %mul3A_81, %add3A_82 : i32
      %dma_start3A_84 = arith.constant 0 : i32
      %dma_start3A_85 = tpu.memref_slice %arg7[%add3A_83, %dma_start3A_84] : memref<40x128xi32, #tpu.memory_space<vmem>> -> memref<1x128xi32, #tpu.memory_space<vmem>>
      %dma_start3A_86 = tpu.memref_squeeze %dma_start3A_85 : memref<1x128xi32, #tpu.memory_space<vmem>> -> memref<128xi32, #tpu.memory_space<vmem>>
      %dma_start3A_87 = arith.constant 0 : i32
      %dma_start3A_88 = arith.constant 0 : i32
      %dma_start3A_89 = tpu.memref_slice %arg2[%dma_start3A_87, %dma_start3A_88] : memref<10000x128xf32, #tpu.memory_space<hbm>> -> memref<10000x128xf32, #tpu.memory_space<hbm>>
      tpu.enqueue_indirect_dma source(%dma_start3A_89 : memref<10000x128xf32, #tpu.memory_space<hbm>>) target(%arg10 : memref<128x128xf32, #tpu.memory_space<vmem>>) offsets(%dma_start3A_86 : memref<128xi32, #tpu.memory_space<vmem>>) semaphore(%arg13 : memref<!tpu.dma_semaphore, #tpu.memory_space<semaphore_mem>>)
      %dma_wait3A_90 = arith.constant 0 : i32
      %dma_wait3A_91 = tpu.memref_slice %arg7[%mul3A_81, %dma_wait3A_90] : memref<40x128xi32, #tpu.memory_space<vmem>> -> memref<1x128xi32, #tpu.memory_space<vmem>>
      %dma_wait3A_92 = tpu.memref_squeeze %dma_wait3A_91 : memref<1x128xi32, #tpu.memory_space<vmem>> -> memref<128xi32, #tpu.memory_space<vmem>>
      %dma_wait3A_93 = arith.constant 0 : i32
      %dma_wait3A_94 = arith.constant 0 : i32
      %dma_wait3A_95 = tpu.memref_slice %arg2[%dma_wait3A_93, %dma_wait3A_94] : memref<10000x128xf32, #tpu.memory_space<hbm>> -> memref<10000x128xf32, #tpu.memory_space<hbm>>
      tpu.wait_indirect_dma semaphore(%arg12 : memref<!tpu.dma_semaphore, #tpu.memory_space<semaphore_mem>>) src(%dma_wait3A_95 : memref<10000x128xf32, #tpu.memory_space<hbm>>) dst(%arg9 : memref<128x128xf32, #tpu.memory_space<vmem>>)
      "tpu.region"() ({
        %run_scoped3A_114 = tpu.sem_alloc : memref<!tpu.dma_semaphore, #tpu.memory_space<semaphore_mem>>
        %dma_start3A_115 = arith.constant 0 : i32
        %dma_start3A_116 = tpu.memref_slice %arg8[%mul3A_81, %dma_start3A_115] : memref<40x128xi32, #tpu.memory_space<vmem>> -> memref<1x128xi32, #tpu.memory_space<vmem>>
        %dma_start3A_117 = tpu.memref_squeeze %dma_start3A_116 : memref<1x128xi32, #tpu.memory_space<vmem>> -> memref<128xi32, #tpu.memory_space<vmem>>
        %dma_start3A_118 = arith.constant 0 : i32
        %dma_start3A_119 = arith.constant 0 : i32
        %dma_start3A_120 = tpu.memref_slice %arg11[%dma_start3A_118, %dma_start3A_119] : memref<10112x128xf32, #tpu.memory_space<vmem_shared>> -> memref<10112x128xf32, #tpu.memory_space<vmem_shared>>
        tpu.enqueue_indirect_dma source(%arg9 : memref<128x128xf32, #tpu.memory_space<vmem>>) target(%dma_start3A_120 : memref<10112x128xf32, #tpu.memory_space<vmem_shared>>) offsets(%dma_start3A_117 : memref<128xi32, #tpu.memory_space<vmem>>) semaphore(%run_scoped3A_114 : memref<!tpu.dma_semaphore, #tpu.memory_space<semaphore_mem>>) {add = true}
        %dma_wait3A_121 = arith.constant 0 : i32
        %dma_wait3A_122 = tpu.memref_slice %arg8[%mul3A_81, %dma_wait3A_121] : memref<40x128xi32, #tpu.memory_space<vmem>> -> memref<1x128xi32, #tpu.memory_space<vmem>>
        %dma_wait3A_123 = tpu.memref_squeeze %dma_wait3A_122 : memref<1x128xi32, #tpu.memory_space<vmem>> -> memref<128xi32, #tpu.memory_space<vmem>>
        %dma_wait3A_124 = arith.constant 0 : i32
        %dma_wait3A_125 = arith.constant 0 : i32
        %dma_wait3A_126 = tpu.memref_slice %arg11[%dma_wait3A_124, %dma_wait3A_125] : memref<10112x128xf32, #tpu.memory_space<vmem_shared>> -> memref<10112x128xf32, #tpu.memory_space<vmem_shared>>
        tpu.wait_indirect_dma semaphore(%run_scoped3A_114 : memref<!tpu.dma_semaphore, #tpu.memory_space<semaphore_mem>>) src(%arg9 : memref<128x128xf32, #tpu.memory_space<vmem>>) dst(%dma_wait3A_126 : memref<10112x128xf32, #tpu.memory_space<vmem_shared>>)
        tpu.yield
      }) : () -> ()
      %add3A_96 = arith.constant 2 : i32
      %add3A_97 = arith.addi %mul3A_81, %add3A_96 : i32
      %dma_start3A_98 = arith.constant 0 : i32
      %dma_start3A_99 = tpu.memref_slice %arg7[%add3A_97, %dma_start3A_98] : memref<40x128xi32, #tpu.memory_space<vmem>> -> memref<1x128xi32, #tpu.memory_space<vmem>>
      %dma_start3A_100 = tpu.memref_squeeze %dma_start3A_99 : memref<1x128xi32, #tpu.memory_space<vmem>> -> memref<128xi32, #tpu.memory_space<vmem>>
      %dma_start3A_101 = arith.constant 0 : i32
      %dma_start3A_102 = arith.constant 0 : i32
      %dma_start3A_103 = tpu.memref_slice %arg2[%dma_start3A_101, %dma_start3A_102] : memref<10000x128xf32, #tpu.memory_space<hbm>> -> memref<10000x128xf32, #tpu.memory_space<hbm>>
      tpu.enqueue_indirect_dma source(%dma_start3A_103 : memref<10000x128xf32, #tpu.memory_space<hbm>>) target(%arg9 : memref<128x128xf32, #tpu.memory_space<vmem>>) offsets(%dma_start3A_100 : memref<128xi32, #tpu.memory_space<vmem>>) semaphore(%arg12 : memref<!tpu.dma_semaphore, #tpu.memory_space<semaphore_mem>>)
      %add3A_104 = arith.constant 1 : i32
      %add3A_105 = arith.addi %mul3A_81, %add3A_104 : i32
      %dma_wait3A_106 = arith.constant 0 : i32
      %dma_wait3A_107 = tpu.memref_slice %arg7[%add3A_105, %dma_wait3A_106] : memref<40x128xi32, #tpu.memory_space<vmem>> -> memref<1x128xi32, #tpu.memory_space<vmem>>
      %dma_wait3A_108 = tpu.memref_squeeze %dma_wait3A_107 : memref<1x128xi32, #tpu.memory_space<vmem>> -> memref<128xi32, #tpu.memory_space<vmem>>
      %dma_wait3A_109 = arith.constant 0 : i32
      %dma_wait3A_110 = arith.constant 0 : i32
      %dma_wait3A_111 = tpu.memref_slice %arg2[%dma_wait3A_109, %dma_wait3A_110] : memref<10000x128xf32, #tpu.memory_space<hbm>> -> memref<10000x128xf32, #tpu.memory_space<hbm>>
      tpu.wait_indirect_dma semaphore(%arg13 : memref<!tpu.dma_semaphore, #tpu.memory_space<semaphore_mem>>) src(%dma_wait3A_111 : memref<10000x128xf32, #tpu.memory_space<hbm>>) dst(%arg10 : memref<128x128xf32, #tpu.memory_space<vmem>>)
      %add3A_112 = arith.constant 1 : i32
      %add3A_113 = arith.addi %mul3A_81, %add3A_112 : i32
      "tpu.region"() ({
        %run_scoped3A_114 = tpu.sem_alloc : memref<!tpu.dma_semaphore, #tpu.memory_space<semaphore_mem>>
        %dma_start3A_115 = arith.constant 0 : i32
        %dma_start3A_116 = tpu.memref_slice %arg8[%add3A_113, %dma_start3A_115] : memref<40x128xi32, #tpu.memory_space<vmem>> -> memref<1x128xi32, #tpu.memory_space<vmem>>
        %dma_start3A_117 = tpu.memref_squeeze %dma_start3A_116 : memref<1x128xi32, #tpu.memory_space<vmem>> -> memref<128xi32, #tpu.memory_space<vmem>>
        %dma_start3A_118 = arith.constant 0 : i32
        %dma_start3A_119 = arith.constant 0 : i32
        %dma_start3A_120 = tpu.memref_slice %arg11[%dma_start3A_118, %dma_start3A_119] : memref<10112x128xf32, #tpu.memory_space<vmem_shared>> -> memref<10112x128xf32, #tpu.memory_space<vmem_shared>>
        tpu.enqueue_indirect_dma source(%arg10 : memref<128x128xf32, #tpu.memory_space<vmem>>) target(%dma_start3A_120 : memref<10112x128xf32, #tpu.memory_space<vmem_shared>>) offsets(%dma_start3A_117 : memref<128xi32, #tpu.memory_space<vmem>>) semaphore(%run_scoped3A_114 : memref<!tpu.dma_semaphore, #tpu.memory_space<semaphore_mem>>) {add = true}
        %dma_wait3A_121 = arith.constant 0 : i32
        %dma_wait3A_122 = tpu.memref_slice %arg8[%add3A_113, %dma_wait3A_121] : memref<40x128xi32, #tpu.memory_space<vmem>> -> memref<1x128xi32, #tpu.memory_space<vmem>>
        %dma_wait3A_123 = tpu.memref_squeeze %dma_wait3A_122 : memref<1x128xi32, #tpu.memory_space<vmem>> -> memref<128xi32, #tpu.memory_space<vmem>>
        %dma_wait3A_124 = arith.constant 0 : i32
        %dma_wait3A_125 = arith.constant 0 : i32
        %dma_wait3A_126 = tpu.memref_slice %arg11[%dma_wait3A_124, %dma_wait3A_125] : memref<10112x128xf32, #tpu.memory_space<vmem_shared>> -> memref<10112x128xf32, #tpu.memory_space<vmem_shared>>
        tpu.wait_indirect_dma semaphore(%run_scoped3A_114 : memref<!tpu.dma_semaphore, #tpu.memory_space<semaphore_mem>>) src(%arg10 : memref<128x128xf32, #tpu.memory_space<vmem>>) dst(%dma_wait3A_126 : memref<10112x128xf32, #tpu.memory_space<vmem_shared>>)
        tpu.yield
      }) : () -> ()
    }
    %scan3A_13 = arith.constant 19 : i32
    %dma_start3A_14 = arith.constant 39 : i32
    %dma_start3A_15 = arith.constant 0 : i32
    %dma_start3A_16 = tpu.memref_slice %arg7[%dma_start3A_14, %dma_start3A_15] : memref<40x128xi32, #tpu.memory_space<vmem>> -> memref<1x128xi32, #tpu.memory_space<vmem>>
    %dma_start3A_17 = tpu.memref_squeeze %dma_start3A_16 : memref<1x128xi32, #tpu.memory_space<vmem>> -> memref<128xi32, #tpu.memory_space<vmem>>
    %dma_start3A_18 = arith.constant 0 : i32
    %dma_start3A_19 = arith.constant 0 : i32
    %dma_start3A_20 = tpu.memref_slice %arg2[%dma_start3A_18, %dma_start3A_19] : memref<10000x128xf32, #tpu.memory_space<hbm>> -> memref<10000x128xf32, #tpu.memory_space<hbm>>
    tpu.enqueue_indirect_dma source(%dma_start3A_20 : memref<10000x128xf32, #tpu.memory_space<hbm>>) target(%arg10 : memref<128x128xf32, #tpu.memory_space<vmem>>) offsets(%dma_start3A_17 : memref<128xi32, #tpu.memory_space<vmem>>) semaphore(%arg13 : memref<!tpu.dma_semaphore, #tpu.memory_space<semaphore_mem>>)
    %dma_wait3A = arith.constant 38 : i32
    %dma_wait3A_21 = arith.constant 0 : i32
    %dma_wait3A_22 = tpu.memref_slice %arg7[%dma_wait3A, %dma_wait3A_21] : memref<40x128xi32, #tpu.memory_space<vmem>> -> memref<1x128xi32, #tpu.memory_space<vmem>>
    %dma_wait3A_23 = tpu.memref_squeeze %dma_wait3A_22 : memref<1x128xi32, #tpu.memory_space<vmem>> -> memref<128xi32, #tpu.memory_space<vmem>>
    %dma_wait3A_24 = arith.constant 0 : i32
    %dma_wait3A_25 = arith.constant 0 : i32
    %dma_wait3A_26 = tpu.memref_slice %arg2[%dma_wait3A_24, %dma_wait3A_25] : memref<10000x128xf32, #tpu.memory_space<hbm>> -> memref<10000x128xf32, #tpu.memory_space<hbm>>
    tpu.wait_indirect_dma semaphore(%arg12 : memref<!tpu.dma_semaphore, #tpu.memory_space<semaphore_mem>>) src(%dma_wait3A_26 : memref<10000x128xf32, #tpu.memory_space<hbm>>) dst(%arg9 : memref<128x128xf32, #tpu.memory_space<vmem>>)
    %run_scoped3A = arith.constant 38 : i32
    "tpu.region"() ({
      %run_scoped3A_79 = tpu.sem_alloc : memref<!tpu.dma_semaphore, #tpu.memory_space<semaphore_mem>>
      %dma_start3A_80 = arith.constant 0 : i32
      %dma_start3A_81 = tpu.memref_slice %arg8[%run_scoped3A, %dma_start3A_80] : memref<40x128xi32, #tpu.memory_space<vmem>> -> memref<1x128xi32, #tpu.memory_space<vmem>>
      %dma_start3A_82 = tpu.memref_squeeze %dma_start3A_81 : memref<1x128xi32, #tpu.memory_space<vmem>> -> memref<128xi32, #tpu.memory_space<vmem>>
      %dma_start3A_83 = arith.constant 0 : i32
      %dma_start3A_84 = arith.constant 0 : i32
      %dma_start3A_85 = tpu.memref_slice %arg11[%dma_start3A_83, %dma_start3A_84] : memref<10112x128xf32, #tpu.memory_space<vmem_shared>> -> memref<10112x128xf32, #tpu.memory_space<vmem_shared>>
      tpu.enqueue_indirect_dma source(%arg9 : memref<128x128xf32, #tpu.memory_space<vmem>>) target(%dma_start3A_85 : memref<10112x128xf32, #tpu.memory_space<vmem_shared>>) offsets(%dma_start3A_82 : memref<128xi32, #tpu.memory_space<vmem>>) semaphore(%run_scoped3A_79 : memref<!tpu.dma_semaphore, #tpu.memory_space<semaphore_mem>>) {add = true}
      %dma_wait3A_86 = arith.constant 0 : i32
      %dma_wait3A_87 = tpu.memref_slice %arg8[%run_scoped3A, %dma_wait3A_86] : memref<40x128xi32, #tpu.memory_space<vmem>> -> memref<1x128xi32, #tpu.memory_space<vmem>>
      %dma_wait3A_88 = tpu.memref_squeeze %dma_wait3A_87 : memref<1x128xi32, #tpu.memory_space<vmem>> -> memref<128xi32, #tpu.memory_space<vmem>>
      %dma_wait3A_89 = arith.constant 0 : i32
      %dma_wait3A_90 = arith.constant 0 : i32
      %dma_wait3A_91 = tpu.memref_slice %arg11[%dma_wait3A_89, %dma_wait3A_90] : memref<10112x128xf32, #tpu.memory_space<vmem_shared>> -> memref<10112x128xf32, #tpu.memory_space<vmem_shared>>
      tpu.wait_indirect_dma semaphore(%run_scoped3A_79 : memref<!tpu.dma_semaphore, #tpu.memory_space<semaphore_mem>>) src(%arg9 : memref<128x128xf32, #tpu.memory_space<vmem>>) dst(%dma_wait3A_91 : memref<10112x128xf32, #tpu.memory_space<vmem_shared>>)
      tpu.yield
    }) : () -> ()
    %dma_wait3A_27 = arith.constant 39 : i32
    %dma_wait3A_28 = arith.constant 0 : i32
    %dma_wait3A_29 = tpu.memref_slice %arg7[%dma_wait3A_27, %dma_wait3A_28] : memref<40x128xi32, #tpu.memory_space<vmem>> -> memref<1x128xi32, #tpu.memory_space<vmem>>
    %dma_wait3A_30 = tpu.memref_squeeze %dma_wait3A_29 : memref<1x128xi32, #tpu.memory_space<vmem>> -> memref<128xi32, #tpu.memory_space<vmem>>
    %dma_wait3A_31 = arith.constant 0 : i32
    %dma_wait3A_32 = arith.constant 0 : i32
    %dma_wait3A_33 = tpu.memref_slice %arg2[%dma_wait3A_31, %dma_wait3A_32] : memref<10000x128xf32, #tpu.memory_space<hbm>> -> memref<10000x128xf32, #tpu.memory_space<hbm>>
    tpu.wait_indirect_dma semaphore(%arg13 : memref<!tpu.dma_semaphore, #tpu.memory_space<semaphore_mem>>) src(%dma_wait3A_33 : memref<10000x128xf32, #tpu.memory_space<hbm>>) dst(%arg10 : memref<128x128xf32, #tpu.memory_space<vmem>>)
    %run_scoped3A_34 = arith.constant 39 : i32
    "tpu.region"() ({
      %run_scoped3A_79 = tpu.sem_alloc : memref<!tpu.dma_semaphore, #tpu.memory_space<semaphore_mem>>
      %dma_start3A_80 = arith.constant 0 : i32
      %dma_start3A_81 = tpu.memref_slice %arg8[%run_scoped3A_34, %dma_start3A_80] : memref<40x128xi32, #tpu.memory_space<vmem>> -> memref<1x128xi32, #tpu.memory_space<vmem>>
      %dma_start3A_82 = tpu.memref_squeeze %dma_start3A_81 : memref<1x128xi32, #tpu.memory_space<vmem>> -> memref<128xi32, #tpu.memory_space<vmem>>
      %dma_start3A_83 = arith.constant 0 : i32
      %dma_start3A_84 = arith.constant 0 : i32
      %dma_start3A_85 = tpu.memref_slice %arg11[%dma_start3A_83, %dma_start3A_84] : memref<10112x128xf32, #tpu.memory_space<vmem_shared>> -> memref<10112x128xf32, #tpu.memory_space<vmem_shared>>
      tpu.enqueue_indirect_dma source(%arg10 : memref<128x128xf32, #tpu.memory_space<vmem>>) target(%dma_start3A_85 : memref<10112x128xf32, #tpu.memory_space<vmem_shared>>) offsets(%dma_start3A_82 : memref<128xi32, #tpu.memory_space<vmem>>) semaphore(%run_scoped3A_79 : memref<!tpu.dma_semaphore, #tpu.memory_space<semaphore_mem>>) {add = true}
      %dma_wait3A_86 = arith.constant 0 : i32
      %dma_wait3A_87 = tpu.memref_slice %arg8[%run_scoped3A_34, %dma_wait3A_86] : memref<40x128xi32, #tpu.memory_space<vmem>> -> memref<1x128xi32, #tpu.memory_space<vmem>>
      %dma_wait3A_88 = tpu.memref_squeeze %dma_wait3A_87 : memref<1x128xi32, #tpu.memory_space<vmem>> -> memref<128xi32, #tpu.memory_space<vmem>>
      %dma_wait3A_89 = arith.constant 0 : i32
      %dma_wait3A_90 = arith.constant 0 : i32
      %dma_wait3A_91 = tpu.memref_slice %arg11[%dma_wait3A_89, %dma_wait3A_90] : memref<10112x128xf32, #tpu.memory_space<vmem_shared>> -> memref<10112x128xf32, #tpu.memory_space<vmem_shared>>
      tpu.wait_indirect_dma semaphore(%run_scoped3A_79 : memref<!tpu.dma_semaphore, #tpu.memory_space<semaphore_mem>>) src(%arg10 : memref<128x128xf32, #tpu.memory_space<vmem>>) dst(%dma_wait3A_91 : memref<10112x128xf32, #tpu.memory_space<vmem_shared>>)
      tpu.yield
    }) : () -> ()
    "tpu.region"() ({
      %run_scoped3A_79 = tpu.sem_alloc : memref<!tpu.dma_semaphore, #tpu.memory_space<semaphore_mem>>
      %dma_start3A_80 = arith.constant 40 : i32
      %dma_start3A_81 = arith.constant 0 : i32
      %dma_start3A_82 = tpu.memref_slice %arg3[%add3A, %dma_start3A_80, %dma_start3A_81] : memref<32x80x128xi32, #tpu.memory_space<hbm>> -> memref<1x40x128xi32, #tpu.memory_space<hbm>>
      %dma_start3A_83 = tpu.memref_squeeze %dma_start3A_82 : memref<1x40x128xi32, #tpu.memory_space<hbm>> -> memref<40x128xi32, #tpu.memory_space<hbm>>
      %dma_start3A_84 = arith.constant 40 : i32
      %dma_start3A_85 = arith.constant 0 : i32
      %dma_start3A_86 = tpu.memref_slice %arg3[%add3A, %dma_start3A_84, %dma_start3A_85] : memref<32x80x128xi32, #tpu.memory_space<hbm>> -> memref<1x40x128xi32, #tpu.memory_space<hbm>>
      %dma_start3A_87 = tpu.memref_squeeze %dma_start3A_86 : memref<1x40x128xi32, #tpu.memory_space<hbm>> -> memref<40x128xi32, #tpu.memory_space<hbm>>
      tpu.enqueue_dma source(%dma_start3A_87 : memref<40x128xi32, #tpu.memory_space<hbm>>) target(%arg7 : memref<40x128xi32, #tpu.memory_space<vmem>>) target_semaphore(%run_scoped3A_79 : memref<!tpu.dma_semaphore, #tpu.memory_space<semaphore_mem>>)
      %dma_wait3A_88 = arith.constant 40 : i32
      %dma_wait3A_89 = arith.constant 0 : i32
      %dma_wait3A_90 = tpu.memref_slice %arg3[%add3A, %dma_wait3A_88, %dma_wait3A_89] : memref<32x80x128xi32, #tpu.memory_space<hbm>> -> memref<1x40x128xi32, #tpu.memory_space<hbm>>
      %dma_wait3A_91 = tpu.memref_squeeze %dma_wait3A_90 : memref<1x40x128xi32, #tpu.memory_space<hbm>> -> memref<40x128xi32, #tpu.memory_space<hbm>>
      %dma_wait3A_92 = arith.constant 40 : i32
      %dma_wait3A_93 = arith.constant 0 : i32
      %dma_wait3A_94 = tpu.memref_slice %arg3[%add3A, %dma_wait3A_92, %dma_wait3A_93] : memref<32x80x128xi32, #tpu.memory_space<hbm>> -> memref<1x40x128xi32, #tpu.memory_space<hbm>>
      %dma_wait3A_95 = tpu.memref_squeeze %dma_wait3A_94 : memref<1x40x128xi32, #tpu.memory_space<hbm>> -> memref<40x128xi32, #tpu.memory_space<hbm>>
      tpu.wait_dma2 semaphore(%run_scoped3A_79 : memref<!tpu.dma_semaphore, #tpu.memory_space<semaphore_mem>>) src(%dma_wait3A_95 : memref<40x128xi32, #tpu.memory_space<hbm>>) dst(%arg7 : memref<40x128xi32, #tpu.memory_space<vmem>>)
      tpu.yield
    }) : () -> ()
    "tpu.region"() ({
      %run_scoped3A_79 = tpu.sem_alloc : memref<!tpu.dma_semaphore, #tpu.memory_space<semaphore_mem>>
      %dma_start3A_80 = arith.constant 40 : i32
      %dma_start3A_81 = arith.constant 0 : i32
      %dma_start3A_82 = tpu.memref_slice %arg4[%add3A, %dma_start3A_80, %dma_start3A_81] : memref<32x80x128xi32, #tpu.memory_space<hbm>> -> memref<1x40x128xi32, #tpu.memory_space<hbm>>
      %dma_start3A_83 = tpu.memref_squeeze %dma_start3A_82 : memref<1x40x128xi32, #tpu.memory_space<hbm>> -> memref<40x128xi32, #tpu.memory_space<hbm>>
      %dma_start3A_84 = arith.constant 40 : i32
      %dma_start3A_85 = arith.constant 0 : i32
      %dma_start3A_86 = tpu.memref_slice %arg4[%add3A, %dma_start3A_84, %dma_start3A_85] : memref<32x80x128xi32, #tpu.memory_space<hbm>> -> memref<1x40x128xi32, #tpu.memory_space<hbm>>
      %dma_start3A_87 = tpu.memref_squeeze %dma_start3A_86 : memref<1x40x128xi32, #tpu.memory_space<hbm>> -> memref<40x128xi32, #tpu.memory_space<hbm>>
      tpu.enqueue_dma source(%dma_start3A_87 : memref<40x128xi32, #tpu.memory_space<hbm>>) target(%arg8 : memref<40x128xi32, #tpu.memory_space<vmem>>) target_semaphore(%run_scoped3A_79 : memref<!tpu.dma_semaphore, #tpu.memory_space<semaphore_mem>>)
      %dma_wait3A_88 = arith.constant 40 : i32
      %dma_wait3A_89 = arith.constant 0 : i32
      %dma_wait3A_90 = tpu.memref_slice %arg4[%add3A, %dma_wait3A_88, %dma_wait3A_89] : memref<32x80x128xi32, #tpu.memory_space<hbm>> -> memref<1x40x128xi32, #tpu.memory_space<hbm>>
      %dma_wait3A_91 = tpu.memref_squeeze %dma_wait3A_90 : memref<1x40x128xi32, #tpu.memory_space<hbm>> -> memref<40x128xi32, #tpu.memory_space<hbm>>
      %dma_wait3A_92 = arith.constant 40 : i32
      %dma_wait3A_93 = arith.constant 0 : i32
      %dma_wait3A_94 = tpu.memref_slice %arg4[%add3A, %dma_wait3A_92, %dma_wait3A_93] : memref<32x80x128xi32, #tpu.memory_space<hbm>> -> memref<1x40x128xi32, #tpu.memory_space<hbm>>
      %dma_wait3A_95 = tpu.memref_squeeze %dma_wait3A_94 : memref<1x40x128xi32, #tpu.memory_space<hbm>> -> memref<40x128xi32, #tpu.memory_space<hbm>>
      tpu.wait_dma2 semaphore(%run_scoped3A_79 : memref<!tpu.dma_semaphore, #tpu.memory_space<semaphore_mem>>) src(%dma_wait3A_95 : memref<40x128xi32, #tpu.memory_space<hbm>>) dst(%arg8 : memref<40x128xi32, #tpu.memory_space<vmem>>)
      tpu.yield
    }) : () -> ()
    %dma_start3A_35 = arith.constant 0 : i32
    %dma_start3A_36 = arith.constant 0 : i32
    %dma_start3A_37 = tpu.memref_slice %arg7[%dma_start3A_35, %dma_start3A_36] : memref<40x128xi32, #tpu.memory_space<vmem>> -> memref<1x128xi32, #tpu.memory_space<vmem>>
    %dma_start3A_38 = tpu.memref_squeeze %dma_start3A_37 : memref<1x128xi32, #tpu.memory_space<vmem>> -> memref<128xi32, #tpu.memory_space<vmem>>
    %dma_start3A_39 = arith.constant 0 : i32
    %dma_start3A_40 = arith.constant 0 : i32
    %dma_start3A_41 = tpu.memref_slice %arg2[%dma_start3A_39, %dma_start3A_40] : memref<10000x128xf32, #tpu.memory_space<hbm>> -> memref<10000x128xf32, #tpu.memory_space<hbm>>
    tpu.enqueue_indirect_dma source(%dma_start3A_41 : memref<10000x128xf32, #tpu.memory_space<hbm>>) target(%arg9 : memref<128x128xf32, #tpu.memory_space<vmem>>) offsets(%dma_start3A_38 : memref<128xi32, #tpu.memory_space<vmem>>) semaphore(%arg12 : memref<!tpu.dma_semaphore, #tpu.memory_space<semaphore_mem>>)
    %scan3A_42 = arith.constant 0 : i32
    %scan3A_43 = arith.constant 0 : i32
    %scan3A_44 = arith.constant 19 : i32
    %scan3A_45 = arith.addi %scan3A_43, %scan3A_44 : i32
    %scan3A_46 = arith.constant 1 : i32
    scf.for %scan3A_79 = %scan3A_43 to %scan3A_45 step %scan3A_46  : i32 {
      %mul3A_80 = arith.constant 2 : i32
      %mul3A_81 = arith.muli %mul3A_80, %scan3A_79 : i32
      %add3A_82 = arith.constant 1 : i32
      %add3A_83 = arith.addi %mul3A_81, %add3A_82 : i32
      %dma_start3A_84 = arith.constant 0 : i32
      %dma_start3A_85 = tpu.memref_slice %arg7[%add3A_83, %dma_start3A_84] : memref<40x128xi32, #tpu.memory_space<vmem>> -> memref<1x128xi32, #tpu.memory_space<vmem>>
      %dma_start3A_86 = tpu.memref_squeeze %dma_start3A_85 : memref<1x128xi32, #tpu.memory_space<vmem>> -> memref<128xi32, #tpu.memory_space<vmem>>
      %dma_start3A_87 = arith.constant 0 : i32
      %dma_start3A_88 = arith.constant 0 : i32
      %dma_start3A_89 = tpu.memref_slice %arg2[%dma_start3A_87, %dma_start3A_88] : memref<10000x128xf32, #tpu.memory_space<hbm>> -> memref<10000x128xf32, #tpu.memory_space<hbm>>
      tpu.enqueue_indirect_dma source(%dma_start3A_89 : memref<10000x128xf32, #tpu.memory_space<hbm>>) target(%arg10 : memref<128x128xf32, #tpu.memory_space<vmem>>) offsets(%dma_start3A_86 : memref<128xi32, #tpu.memory_space<vmem>>) semaphore(%arg13 : memref<!tpu.dma_semaphore, #tpu.memory_space<semaphore_mem>>)
      %dma_wait3A_90 = arith.constant 0 : i32
      %dma_wait3A_91 = tpu.memref_slice %arg7[%mul3A_81, %dma_wait3A_90] : memref<40x128xi32, #tpu.memory_space<vmem>> -> memref<1x128xi32, #tpu.memory_space<vmem>>
      %dma_wait3A_92 = tpu.memref_squeeze %dma_wait3A_91 : memref<1x128xi32, #tpu.memory_space<vmem>> -> memref<128xi32, #tpu.memory_space<vmem>>
      %dma_wait3A_93 = arith.constant 0 : i32
      %dma_wait3A_94 = arith.constant 0 : i32
      %dma_wait3A_95 = tpu.memref_slice %arg2[%dma_wait3A_93, %dma_wait3A_94] : memref<10000x128xf32, #tpu.memory_space<hbm>> -> memref<10000x128xf32, #tpu.memory_space<hbm>>
      tpu.wait_indirect_dma semaphore(%arg12 : memref<!tpu.dma_semaphore, #tpu.memory_space<semaphore_mem>>) src(%dma_wait3A_95 : memref<10000x128xf32, #tpu.memory_space<hbm>>) dst(%arg9 : memref<128x128xf32, #tpu.memory_space<vmem>>)
      "tpu.region"() ({
        %run_scoped3A_114 = tpu.sem_alloc : memref<!tpu.dma_semaphore, #tpu.memory_space<semaphore_mem>>
        %dma_start3A_115 = arith.constant 0 : i32
        %dma_start3A_116 = tpu.memref_slice %arg8[%mul3A_81, %dma_start3A_115] : memref<40x128xi32, #tpu.memory_space<vmem>> -> memref<1x128xi32, #tpu.memory_space<vmem>>
        %dma_start3A_117 = tpu.memref_squeeze %dma_start3A_116 : memref<1x128xi32, #tpu.memory_space<vmem>> -> memref<128xi32, #tpu.memory_space<vmem>>
        %dma_start3A_118 = arith.constant 0 : i32
        %dma_start3A_119 = arith.constant 0 : i32
        %dma_start3A_120 = tpu.memref_slice %arg11[%dma_start3A_118, %dma_start3A_119] : memref<10112x128xf32, #tpu.memory_space<vmem_shared>> -> memref<10112x128xf32, #tpu.memory_space<vmem_shared>>
        tpu.enqueue_indirect_dma source(%arg9 : memref<128x128xf32, #tpu.memory_space<vmem>>) target(%dma_start3A_120 : memref<10112x128xf32, #tpu.memory_space<vmem_shared>>) offsets(%dma_start3A_117 : memref<128xi32, #tpu.memory_space<vmem>>) semaphore(%run_scoped3A_114 : memref<!tpu.dma_semaphore, #tpu.memory_space<semaphore_mem>>) {add = true}
        %dma_wait3A_121 = arith.constant 0 : i32
        %dma_wait3A_122 = tpu.memref_slice %arg8[%mul3A_81, %dma_wait3A_121] : memref<40x128xi32, #tpu.memory_space<vmem>> -> memref<1x128xi32, #tpu.memory_space<vmem>>
        %dma_wait3A_123 = tpu.memref_squeeze %dma_wait3A_122 : memref<1x128xi32, #tpu.memory_space<vmem>> -> memref<128xi32, #tpu.memory_space<vmem>>
        %dma_wait3A_124 = arith.constant 0 : i32
        %dma_wait3A_125 = arith.constant 0 : i32
        %dma_wait3A_126 = tpu.memref_slice %arg11[%dma_wait3A_124, %dma_wait3A_125] : memref<10112x128xf32, #tpu.memory_space<vmem_shared>> -> memref<10112x128xf32, #tpu.memory_space<vmem_shared>>
        tpu.wait_indirect_dma semaphore(%run_scoped3A_114 : memref<!tpu.dma_semaphore, #tpu.memory_space<semaphore_mem>>) src(%arg9 : memref<128x128xf32, #tpu.memory_space<vmem>>) dst(%dma_wait3A_126 : memref<10112x128xf32, #tpu.memory_space<vmem_shared>>)
        tpu.yield
      }) : () -> ()
      %add3A_96 = arith.constant 2 : i32
      %add3A_97 = arith.addi %mul3A_81, %add3A_96 : i32
      %dma_start3A_98 = arith.constant 0 : i32
      %dma_start3A_99 = tpu.memref_slice %arg7[%add3A_97, %dma_start3A_98] : memref<40x128xi32, #tpu.memory_space<vmem>> -> memref<1x128xi32, #tpu.memory_space<vmem>>
      %dma_start3A_100 = tpu.memref_squeeze %dma_start3A_99 : memref<1x128xi32, #tpu.memory_space<vmem>> -> memref<128xi32, #tpu.memory_space<vmem>>
      %dma_start3A_101 = arith.constant 0 : i32
      %dma_start3A_102 = arith.constant 0 : i32
      %dma_start3A_103 = tpu.memref_slice %arg2[%dma_start3A_101, %dma_start3A_102] : memref<10000x128xf32, #tpu.memory_space<hbm>> -> memref<10000x128xf32, #tpu.memory_space<hbm>>
      tpu.enqueue_indirect_dma source(%dma_start3A_103 : memref<10000x128xf32, #tpu.memory_space<hbm>>) target(%arg9 : memref<128x128xf32, #tpu.memory_space<vmem>>) offsets(%dma_start3A_100 : memref<128xi32, #tpu.memory_space<vmem>>) semaphore(%arg12 : memref<!tpu.dma_semaphore, #tpu.memory_space<semaphore_mem>>)
      %add3A_104 = arith.constant 1 : i32
      %add3A_105 = arith.addi %mul3A_81, %add3A_104 : i32
      %dma_wait3A_106 = arith.constant 0 : i32
      %dma_wait3A_107 = tpu.memref_slice %arg7[%add3A_105, %dma_wait3A_106] : memref<40x128xi32, #tpu.memory_space<vmem>> -> memref<1x128xi32, #tpu.memory_space<vmem>>
      %dma_wait3A_108 = tpu.memref_squeeze %dma_wait3A_107 : memref<1x128xi32, #tpu.memory_space<vmem>> -> memref<128xi32, #tpu.memory_space<vmem>>
      %dma_wait3A_109 = arith.constant 0 : i32
      %dma_wait3A_110 = arith.constant 0 : i32
      %dma_wait3A_111 = tpu.memref_slice %arg2[%dma_wait3A_109, %dma_wait3A_110] : memref<10000x128xf32, #tpu.memory_space<hbm>> -> memref<10000x128xf32, #tpu.memory_space<hbm>>
      tpu.wait_indirect_dma semaphore(%arg13 : memref<!tpu.dma_semaphore, #tpu.memory_space<semaphore_mem>>) src(%dma_wait3A_111 : memref<10000x128xf32, #tpu.memory_space<hbm>>) dst(%arg10 : memref<128x128xf32, #tpu.memory_space<vmem>>)
      %add3A_112 = arith.constant 1 : i32
      %add3A_113 = arith.addi %mul3A_81, %add3A_112 : i32
      "tpu.region"() ({
        %run_scoped3A_114 = tpu.sem_alloc : memref<!tpu.dma_semaphore, #tpu.memory_space<semaphore_mem>>
        %dma_start3A_115 = arith.constant 0 : i32
        %dma_start3A_116 = tpu.memref_slice %arg8[%add3A_113, %dma_start3A_115] : memref<40x128xi32, #tpu.memory_space<vmem>> -> memref<1x128xi32, #tpu.memory_space<vmem>>
        %dma_start3A_117 = tpu.memref_squeeze %dma_start3A_116 : memref<1x128xi32, #tpu.memory_space<vmem>> -> memref<128xi32, #tpu.memory_space<vmem>>
        %dma_start3A_118 = arith.constant 0 : i32
        %dma_start3A_119 = arith.constant 0 : i32
        %dma_start3A_120 = tpu.memref_slice %arg11[%dma_start3A_118, %dma_start3A_119] : memref<10112x128xf32, #tpu.memory_space<vmem_shared>> -> memref<10112x128xf32, #tpu.memory_space<vmem_shared>>
        tpu.enqueue_indirect_dma source(%arg10 : memref<128x128xf32, #tpu.memory_space<vmem>>) target(%dma_start3A_120 : memref<10112x128xf32, #tpu.memory_space<vmem_shared>>) offsets(%dma_start3A_117 : memref<128xi32, #tpu.memory_space<vmem>>) semaphore(%run_scoped3A_114 : memref<!tpu.dma_semaphore, #tpu.memory_space<semaphore_mem>>) {add = true}
        %dma_wait3A_121 = arith.constant 0 : i32
        %dma_wait3A_122 = tpu.memref_slice %arg8[%add3A_113, %dma_wait3A_121] : memref<40x128xi32, #tpu.memory_space<vmem>> -> memref<1x128xi32, #tpu.memory_space<vmem>>
        %dma_wait3A_123 = tpu.memref_squeeze %dma_wait3A_122 : memref<1x128xi32, #tpu.memory_space<vmem>> -> memref<128xi32, #tpu.memory_space<vmem>>
        %dma_wait3A_124 = arith.constant 0 : i32
        %dma_wait3A_125 = arith.constant 0 : i32
        %dma_wait3A_126 = tpu.memref_slice %arg11[%dma_wait3A_124, %dma_wait3A_125] : memref<10112x128xf32, #tpu.memory_space<vmem_shared>> -> memref<10112x128xf32, #tpu.memory_space<vmem_shared>>
        tpu.wait_indirect_dma semaphore(%run_scoped3A_114 : memref<!tpu.dma_semaphore, #tpu.memory_space<semaphore_mem>>) src(%arg10 : memref<128x128xf32, #tpu.memory_space<vmem>>) dst(%dma_wait3A_126 : memref<10112x128xf32, #tpu.memory_space<vmem_shared>>)
        tpu.yield
      }) : () -> ()
    }
    %scan3A_47 = arith.constant 19 : i32
    %dma_start3A_48 = arith.constant 39 : i32
    %dma_start3A_49 = arith.constant 0 : i32
    %dma_start3A_50 = tpu.memref_slice %arg7[%dma_start3A_48, %dma_start3A_49] : memref<40x128xi32, #tpu.memory_space<vmem>> -> memref<1x128xi32, #tpu.memory_space<vmem>>
    %dma_start3A_51 = tpu.memref_squeeze %dma_start3A_50 : memref<1x128xi32, #tpu.memory_space<vmem>> -> memref<128xi32, #tpu.memory_space<vmem>>
    %dma_start3A_52 = arith.constant 0 : i32
    %dma_start3A_53 = arith.constant 0 : i32
    %dma_start3A_54 = tpu.memref_slice %arg2[%dma_start3A_52, %dma_start3A_53] : memref<10000x128xf32, #tpu.memory_space<hbm>> -> memref<10000x128xf32, #tpu.memory_space<hbm>>
    tpu.enqueue_indirect_dma source(%dma_start3A_54 : memref<10000x128xf32, #tpu.memory_space<hbm>>) target(%arg10 : memref<128x128xf32, #tpu.memory_space<vmem>>) offsets(%dma_start3A_51 : memref<128xi32, #tpu.memory_space<vmem>>) semaphore(%arg13 : memref<!tpu.dma_semaphore, #tpu.memory_space<semaphore_mem>>)
    %dma_wait3A_55 = arith.constant 38 : i32
    %dma_wait3A_56 = arith.constant 0 : i32
    %dma_wait3A_57 = tpu.memref_slice %arg7[%dma_wait3A_55, %dma_wait3A_56] : memref<40x128xi32, #tpu.memory_space<vmem>> -> memref<1x128xi32, #tpu.memory_space<vmem>>
    %dma_wait3A_58 = tpu.memref_squeeze %dma_wait3A_57 : memref<1x128xi32, #tpu.memory_space<vmem>> -> memref<128xi32, #tpu.memory_space<vmem>>
    %dma_wait3A_59 = arith.constant 0 : i32
    %dma_wait3A_60 = arith.constant 0 : i32
    %dma_wait3A_61 = tpu.memref_slice %arg2[%dma_wait3A_59, %dma_wait3A_60] : memref<10000x128xf32, #tpu.memory_space<hbm>> -> memref<10000x128xf32, #tpu.memory_space<hbm>>
    tpu.wait_indirect_dma semaphore(%arg12 : memref<!tpu.dma_semaphore, #tpu.memory_space<semaphore_mem>>) src(%dma_wait3A_61 : memref<10000x128xf32, #tpu.memory_space<hbm>>) dst(%arg9 : memref<128x128xf32, #tpu.memory_space<vmem>>)
    %run_scoped3A_62 = arith.constant 38 : i32
    "tpu.region"() ({
      %run_scoped3A_79 = tpu.sem_alloc : memref<!tpu.dma_semaphore, #tpu.memory_space<semaphore_mem>>
      %dma_start3A_80 = arith.constant 0 : i32
      %dma_start3A_81 = tpu.memref_slice %arg8[%run_scoped3A_62, %dma_start3A_80] : memref<40x128xi32, #tpu.memory_space<vmem>> -> memref<1x128xi32, #tpu.memory_space<vmem>>
      %dma_start3A_82 = tpu.memref_squeeze %dma_start3A_81 : memref<1x128xi32, #tpu.memory_space<vmem>> -> memref<128xi32, #tpu.memory_space<vmem>>
      %dma_start3A_83 = arith.constant 0 : i32
      %dma_start3A_84 = arith.constant 0 : i32
      %dma_start3A_85 = tpu.memref_slice %arg11[%dma_start3A_83, %dma_start3A_84] : memref<10112x128xf32, #tpu.memory_space<vmem_shared>> -> memref<10112x128xf32, #tpu.memory_space<vmem_shared>>
      tpu.enqueue_indirect_dma source(%arg9 : memref<128x128xf32, #tpu.memory_space<vmem>>) target(%dma_start3A_85 : memref<10112x128xf32, #tpu.memory_space<vmem_shared>>) offsets(%dma_start3A_82 : memref<128xi32, #tpu.memory_space<vmem>>) semaphore(%run_scoped3A_79 : memref<!tpu.dma_semaphore, #tpu.memory_space<semaphore_mem>>) {add = true}
      %dma_wait3A_86 = arith.constant 0 : i32
      %dma_wait3A_87 = tpu.memref_slice %arg8[%run_scoped3A_62, %dma_wait3A_86] : memref<40x128xi32, #tpu.memory_space<vmem>> -> memref<1x128xi32, #tpu.memory_space<vmem>>
      %dma_wait3A_88 = tpu.memref_squeeze %dma_wait3A_87 : memref<1x128xi32, #tpu.memory_space<vmem>> -> memref<128xi32, #tpu.memory_space<vmem>>
      %dma_wait3A_89 = arith.constant 0 : i32
      %dma_wait3A_90 = arith.constant 0 : i32
      %dma_wait3A_91 = tpu.memref_slice %arg11[%dma_wait3A_89, %dma_wait3A_90] : memref<10112x128xf32, #tpu.memory_space<vmem_shared>> -> memref<10112x128xf32, #tpu.memory_space<vmem_shared>>
      tpu.wait_indirect_dma semaphore(%run_scoped3A_79 : memref<!tpu.dma_semaphore, #tpu.memory_space<semaphore_mem>>) src(%arg9 : memref<128x128xf32, #tpu.memory_space<vmem>>) dst(%dma_wait3A_91 : memref<10112x128xf32, #tpu.memory_space<vmem_shared>>)
      tpu.yield
    }) : () -> ()
    %dma_wait3A_63 = arith.constant 39 : i32
    %dma_wait3A_64 = arith.constant 0 : i32
    %dma_wait3A_65 = tpu.memref_slice %arg7[%dma_wait3A_63, %dma_wait3A_64] : memref<40x128xi32, #tpu.memory_space<vmem>> -> memref<1x128xi32, #tpu.memory_space<vmem>>
    %dma_wait3A_66 = tpu.memref_squeeze %dma_wait3A_65 : memref<1x128xi32, #tpu.memory_space<vmem>> -> memref<128xi32, #tpu.memory_space<vmem>>
    %dma_wait3A_67 = arith.constant 0 : i32
    %dma_wait3A_68 = arith.constant 0 : i32
    %dma_wait3A_69 = tpu.memref_slice %arg2[%dma_wait3A_67, %dma_wait3A_68] : memref<10000x128xf32, #tpu.memory_space<hbm>> -> memref<10000x128xf32, #tpu.memory_space<hbm>>
    tpu.wait_indirect_dma semaphore(%arg13 : memref<!tpu.dma_semaphore, #tpu.memory_space<semaphore_mem>>) src(%dma_wait3A_69 : memref<10000x128xf32, #tpu.memory_space<hbm>>) dst(%arg10 : memref<128x128xf32, #tpu.memory_space<vmem>>)
    %run_scoped3A_70 = arith.constant 39 : i32
    "tpu.region"() ({
      %run_scoped3A_79 = tpu.sem_alloc : memref<!tpu.dma_semaphore, #tpu.memory_space<semaphore_mem>>
      %dma_start3A_80 = arith.constant 0 : i32
      %dma_start3A_81 = tpu.memref_slice %arg8[%run_scoped3A_70, %dma_start3A_80] : memref<40x128xi32, #tpu.memory_space<vmem>> -> memref<1x128xi32, #tpu.memory_space<vmem>>
      %dma_start3A_82 = tpu.memref_squeeze %dma_start3A_81 : memref<1x128xi32, #tpu.memory_space<vmem>> -> memref<128xi32, #tpu.memory_space<vmem>>
      %dma_start3A_83 = arith.constant 0 : i32
      %dma_start3A_84 = arith.constant 0 : i32
      %dma_start3A_85 = tpu.memref_slice %arg11[%dma_start3A_83, %dma_start3A_84] : memref<10112x128xf32, #tpu.memory_space<vmem_shared>> -> memref<10112x128xf32, #tpu.memory_space<vmem_shared>>
      tpu.enqueue_indirect_dma source(%arg10 : memref<128x128xf32, #tpu.memory_space<vmem>>) target(%dma_start3A_85 : memref<10112x128xf32, #tpu.memory_space<vmem_shared>>) offsets(%dma_start3A_82 : memref<128xi32, #tpu.memory_space<vmem>>) semaphore(%run_scoped3A_79 : memref<!tpu.dma_semaphore, #tpu.memory_space<semaphore_mem>>) {add = true}
      %dma_wait3A_86 = arith.constant 0 : i32
      %dma_wait3A_87 = tpu.memref_slice %arg8[%run_scoped3A_70, %dma_wait3A_86] : memref<40x128xi32, #tpu.memory_space<vmem>> -> memref<1x128xi32, #tpu.memory_space<vmem>>
      %dma_wait3A_88 = tpu.memref_squeeze %dma_wait3A_87 : memref<1x128xi32, #tpu.memory_space<vmem>> -> memref<128xi32, #tpu.memory_space<vmem>>
      %dma_wait3A_89 = arith.constant 0 : i32
      %dma_wait3A_90 = arith.constant 0 : i32
      %dma_wait3A_91 = tpu.memref_slice %arg11[%dma_wait3A_89, %dma_wait3A_90] : memref<10112x128xf32, #tpu.memory_space<vmem_shared>> -> memref<10112x128xf32, #tpu.memory_space<vmem_shared>>
      tpu.wait_indirect_dma semaphore(%run_scoped3A_79 : memref<!tpu.dma_semaphore, #tpu.memory_space<semaphore_mem>>) src(%arg10 : memref<128x128xf32, #tpu.memory_space<vmem>>) dst(%dma_wait3A_91 : memref<10112x128xf32, #tpu.memory_space<vmem_shared>>)
      tpu.yield
    }) : () -> ()
    %barrier3A_71 = arith.constant 0 : index
    tpu.barrier barrier_id(%barrier3A_71)
    %mul3A_72 = arith.constant 632 : i32
    %mul3A_73 = arith.muli %arg1, %mul3A_72 : i32
    %mul3A_74 = arith.constant 10112 : i32
    %mul3A_75 = arith.muli %arg0, %mul3A_74 : i32
    %mul3A_76 = arith.constant 632 : i32
    %mul3A_77 = arith.muli %arg1, %mul3A_76 : i32
    %add3A_78 = arith.addi %mul3A_75, %mul3A_77 : i32
    "tpu.region"() ({
      %run_scoped3A_79 = tpu.sem_alloc : memref<!tpu.dma_semaphore, #tpu.memory_space<semaphore_mem>>
      %dma_start3A_80 = arith.constant 0 : i32
      %dma_start3A_81 = tpu.memref_slice %arg6[%add3A_78, %dma_start3A_80] : memref<20224x128xf32, #tpu.memory_space<hbm>> -> memref<632x128xf32, #tpu.memory_space<hbm>>
      %dma_start3A_82 = arith.constant 0 : i32
      %dma_start3A_83 = tpu.memref_slice %arg11[%mul3A_73, %dma_start3A_82] : memref<10112x128xf32, #tpu.memory_space<vmem_shared>> -> memref<632x128xf32, #tpu.memory_space<vmem_shared>>
      tpu.enqueue_dma source(%dma_start3A_83 : memref<632x128xf32, #tpu.memory_space<vmem_shared>>) target(%dma_start3A_81 : memref<632x128xf32, #tpu.memory_space<hbm>>) target_semaphore(%run_scoped3A_79 : memref<!tpu.dma_semaphore, #tpu.memory_space<semaphore_mem>>)
      %dma_wait3A_84 = arith.constant 0 : i32
      %dma_wait3A_85 = tpu.memref_slice %arg6[%add3A_78, %dma_wait3A_84] : memref<20224x128xf32, #tpu.memory_space<hbm>> -> memref<632x128xf32, #tpu.memory_space<hbm>>
      %dma_wait3A_86 = arith.constant 0 : i32
      %dma_wait3A_87 = tpu.memref_slice %arg11[%mul3A_73, %dma_wait3A_86] : memref<10112x128xf32, #tpu.memory_space<vmem_shared>> -> memref<632x128xf32, #tpu.memory_space<vmem_shared>>
      tpu.wait_dma2 semaphore(%run_scoped3A_79 : memref<!tpu.dma_semaphore, #tpu.memory_space<semaphore_mem>>) src(%dma_wait3A_87 : memref<632x128xf32, #tpu.memory_space<vmem_shared>>) dst(%dma_wait3A_85 : memref<632x128xf32, #tpu.memory_space<hbm>>)
      tpu.yield
    }) : () -> ()
    return
  }
}

#map = affine_map<(d0, d1) -> (0, 0, 0)>
#map1 = affine_map<(d0, d1) -> (0)>
module attributes {stable_mosaic.version = 14 : i64} {
  func.func @_deg_body(%arg0: i32, %arg1: i32, %arg2: memref<32x80x128xi32, #tpu.memory_space<hbm>>, %arg3: memref<10112xf32, #tpu.memory_space<hbm>>, %arg4: memref<128xf32, #tpu.memory_space<hbm>>, %arg5: memref<20224xf32, #tpu.memory_space<hbm>>, %arg6: memref<80x128xi32, #tpu.memory_space<vmem>>, %arg7: memref<128xf32, #tpu.memory_space<vmem>>, %arg8: memref<10112xf32, #tpu.memory_space<vmem>>, %arg9: memref<10112xf32, #tpu.memory_space<vmem_shared>>, %arg10: memref<!tpu.dma_semaphore, #tpu.memory_space<semaphore_mem>>) attributes {dimension_semantics = [#tpu.dimension_semantics<core_parallel>, #tpu.dimension_semantics<subcore_parallel>], iteration_bounds = array<i64: 2, 16>, scalar_prefetch = 0 : i64, scratch_operands = 5 : i64, tpu.core_type = #tpu.core_type<sc_vector_subcore>, window_params = [{transform_indices = #map}, {transform_indices = #map1}, {transform_indices = #map1}, {transform_indices = #map1}]} {
    %mul3A = arith.constant 2 : i32
    %mul3A_0 = arith.muli %arg1, %mul3A : i32
    %add3A = arith.addi %mul3A_0, %arg0 : i32
    %eq3A = arith.constant 0 : i32
    %eq3A_1 = arith.cmpi eq, %arg1, %eq3A : i32
    %convert_element_type3A = arith.extui %eq3A_1 : i1 to i32
    %cond3A = arith.constant 0 : i32
    %cond3A_2 = arith.cmpi ne, %convert_element_type3A, %cond3A : i32
    scf.if %cond3A_2 {
      "tpu.region"() ({
        %run_scoped3A = tpu.sem_alloc : memref<!tpu.dma_semaphore, #tpu.memory_space<semaphore_mem>>
        tpu.enqueue_dma source(%arg3 : memref<10112xf32, #tpu.memory_space<hbm>>) target(%arg8 : memref<10112xf32, #tpu.memory_space<vmem>>) target_semaphore(%run_scoped3A : memref<!tpu.dma_semaphore, #tpu.memory_space<semaphore_mem>>)
        tpu.wait_dma2 semaphore(%run_scoped3A : memref<!tpu.dma_semaphore, #tpu.memory_space<semaphore_mem>>) src(%arg3 : memref<10112xf32, #tpu.memory_space<hbm>>) dst(%arg8 : memref<10112xf32, #tpu.memory_space<vmem>>)
        tpu.yield
      }) : () -> ()
      "tpu.region"() ({
        %run_scoped3A = tpu.sem_alloc : memref<!tpu.dma_semaphore, #tpu.memory_space<semaphore_mem>>
        tpu.enqueue_dma source(%arg8 : memref<10112xf32, #tpu.memory_space<vmem>>) target(%arg9 : memref<10112xf32, #tpu.memory_space<vmem_shared>>) target_semaphore(%run_scoped3A : memref<!tpu.dma_semaphore, #tpu.memory_space<semaphore_mem>>)
        tpu.wait_dma2 semaphore(%run_scoped3A : memref<!tpu.dma_semaphore, #tpu.memory_space<semaphore_mem>>) src(%arg8 : memref<10112xf32, #tpu.memory_space<vmem>>) dst(%arg9 : memref<10112xf32, #tpu.memory_space<vmem_shared>>)
        tpu.yield
      }) : () -> ()
    } else {
    }
    %barrier3A = arith.constant 0 : index
    tpu.barrier barrier_id(%barrier3A)
    "tpu.region"() ({
      %run_scoped3A = tpu.sem_alloc : memref<!tpu.dma_semaphore, #tpu.memory_space<semaphore_mem>>
      %dma_start3A = arith.constant 0 : i32
      %dma_start3A_20 = arith.constant 0 : i32
      %dma_start3A_21 = tpu.memref_slice %arg2[%add3A, %dma_start3A, %dma_start3A_20] : memref<32x80x128xi32, #tpu.memory_space<hbm>> -> memref<1x80x128xi32, #tpu.memory_space<hbm>>
      %dma_start3A_22 = tpu.memref_squeeze %dma_start3A_21 : memref<1x80x128xi32, #tpu.memory_space<hbm>> -> memref<80x128xi32, #tpu.memory_space<hbm>>
      %dma_start3A_23 = arith.constant 0 : i32
      %dma_start3A_24 = arith.constant 0 : i32
      %dma_start3A_25 = tpu.memref_slice %arg2[%add3A, %dma_start3A_23, %dma_start3A_24] : memref<32x80x128xi32, #tpu.memory_space<hbm>> -> memref<1x80x128xi32, #tpu.memory_space<hbm>>
      %dma_start3A_26 = tpu.memref_squeeze %dma_start3A_25 : memref<1x80x128xi32, #tpu.memory_space<hbm>> -> memref<80x128xi32, #tpu.memory_space<hbm>>
      tpu.enqueue_dma source(%dma_start3A_26 : memref<80x128xi32, #tpu.memory_space<hbm>>) target(%arg6 : memref<80x128xi32, #tpu.memory_space<vmem>>) target_semaphore(%run_scoped3A : memref<!tpu.dma_semaphore, #tpu.memory_space<semaphore_mem>>)
      %dma_wait3A = arith.constant 0 : i32
      %dma_wait3A_27 = arith.constant 0 : i32
      %dma_wait3A_28 = tpu.memref_slice %arg2[%add3A, %dma_wait3A, %dma_wait3A_27] : memref<32x80x128xi32, #tpu.memory_space<hbm>> -> memref<1x80x128xi32, #tpu.memory_space<hbm>>
      %dma_wait3A_29 = tpu.memref_squeeze %dma_wait3A_28 : memref<1x80x128xi32, #tpu.memory_space<hbm>> -> memref<80x128xi32, #tpu.memory_space<hbm>>
      %dma_wait3A_30 = arith.constant 0 : i32
      %dma_wait3A_31 = arith.constant 0 : i32
      %dma_wait3A_32 = tpu.memref_slice %arg2[%add3A, %dma_wait3A_30, %dma_wait3A_31] : memref<32x80x128xi32, #tpu.memory_space<hbm>> -> memref<1x80x128xi32, #tpu.memory_space<hbm>>
      %dma_wait3A_33 = tpu.memref_squeeze %dma_wait3A_32 : memref<1x80x128xi32, #tpu.memory_space<hbm>> -> memref<80x128xi32, #tpu.memory_space<hbm>>
      tpu.wait_dma2 semaphore(%run_scoped3A : memref<!tpu.dma_semaphore, #tpu.memory_space<semaphore_mem>>) src(%dma_wait3A_33 : memref<80x128xi32, #tpu.memory_space<hbm>>) dst(%arg6 : memref<80x128xi32, #tpu.memory_space<vmem>>)
      tpu.yield
    }) : () -> ()
    "tpu.region"() ({
      %run_scoped3A = tpu.sem_alloc : memref<!tpu.dma_semaphore, #tpu.memory_space<semaphore_mem>>
      tpu.enqueue_dma source(%arg4 : memref<128xf32, #tpu.memory_space<hbm>>) target(%arg7 : memref<128xf32, #tpu.memory_space<vmem>>) target_semaphore(%run_scoped3A : memref<!tpu.dma_semaphore, #tpu.memory_space<semaphore_mem>>)
      tpu.wait_dma2 semaphore(%run_scoped3A : memref<!tpu.dma_semaphore, #tpu.memory_space<semaphore_mem>>) src(%arg4 : memref<128xf32, #tpu.memory_space<hbm>>) dst(%arg7 : memref<128xf32, #tpu.memory_space<vmem>>)
      tpu.yield
    }) : () -> ()
    %scan3A = arith.constant 0 : i32
    %scan3A_3 = arith.constant 0 : i32
    %scan3A_4 = arith.constant 80 : i32
    %scan3A_5 = arith.addi %scan3A_3, %scan3A_4 : i32
    %scan3A_6 = arith.constant 1 : i32
    scf.for %scan3A_20 = %scan3A_3 to %scan3A_5 step %scan3A_6  : i32 {
      %dma_start3A = arith.constant 0 : i32
      %dma_start3A_21 = tpu.memref_slice %arg6[%scan3A_20, %dma_start3A] : memref<80x128xi32, #tpu.memory_space<vmem>> -> memref<1x128xi32, #tpu.memory_space<vmem>>
      %dma_start3A_22 = tpu.memref_squeeze %dma_start3A_21 : memref<1x128xi32, #tpu.memory_space<vmem>> -> memref<128xi32, #tpu.memory_space<vmem>>
      %dma_start3A_23 = arith.constant 0 : i32
      %dma_start3A_24 = tpu.memref_slice %arg9[%dma_start3A_23] : memref<10112xf32, #tpu.memory_space<vmem_shared>> -> memref<10112xf32, #tpu.memory_space<vmem_shared>>
      tpu.enqueue_indirect_dma source(%arg7 : memref<128xf32, #tpu.memory_space<vmem>>) target(%dma_start3A_24 : memref<10112xf32, #tpu.memory_space<vmem_shared>>) offsets(%dma_start3A_22 : memref<128xi32, #tpu.memory_space<vmem>>) semaphore(%arg10 : memref<!tpu.dma_semaphore, #tpu.memory_space<semaphore_mem>>) {add = true}
    }
    %scan3A_7 = arith.constant 80 : i32
    %scan3A_8 = arith.constant 0 : i32
    %scan3A_9 = arith.constant 0 : i32
    %scan3A_10 = arith.constant 80 : i32
    %scan3A_11 = arith.addi %scan3A_9, %scan3A_10 : i32
    %scan3A_12 = arith.constant 1 : i32
    scf.for %scan3A_20 = %scan3A_9 to %scan3A_11 step %scan3A_12  : i32 {
      %dma_wait3A = arith.constant 0 : i32
      %dma_wait3A_21 = arith.constant 0 : i32
      %dma_wait3A_22 = tpu.memref_slice %arg6[%dma_wait3A, %dma_wait3A_21] : memref<80x128xi32, #tpu.memory_space<vmem>> -> memref<1x128xi32, #tpu.memory_space<vmem>>
      %dma_wait3A_23 = tpu.memref_squeeze %dma_wait3A_22 : memref<1x128xi32, #tpu.memory_space<vmem>> -> memref<128xi32, #tpu.memory_space<vmem>>
      %dma_wait3A_24 = arith.constant 0 : i32
      %dma_wait3A_25 = tpu.memref_slice %arg9[%dma_wait3A_24] : memref<10112xf32, #tpu.memory_space<vmem_shared>> -> memref<10112xf32, #tpu.memory_space<vmem_shared>>
      tpu.wait_indirect_dma semaphore(%arg10 : memref<!tpu.dma_semaphore, #tpu.memory_space<semaphore_mem>>) src(%arg7 : memref<128xf32, #tpu.memory_space<vmem>>) dst(%dma_wait3A_25 : memref<10112xf32, #tpu.memory_space<vmem_shared>>)
    }
    %scan3A_13 = arith.constant 80 : i32
    %barrier3A_14 = arith.constant 0 : index
    tpu.barrier barrier_id(%barrier3A_14)
    %eq3A_15 = arith.constant 0 : i32
    %eq3A_16 = arith.cmpi eq, %arg1, %eq3A_15 : i32
    %convert_element_type3A_17 = arith.extui %eq3A_16 : i1 to i32
    %cond3A_18 = arith.constant 0 : i32
    %cond3A_19 = arith.cmpi ne, %convert_element_type3A_17, %cond3A_18 : i32
    scf.if %cond3A_19 {
      "tpu.region"() ({
        %run_scoped3A = tpu.sem_alloc : memref<!tpu.dma_semaphore, #tpu.memory_space<semaphore_mem>>
        tpu.enqueue_dma source(%arg9 : memref<10112xf32, #tpu.memory_space<vmem_shared>>) target(%arg8 : memref<10112xf32, #tpu.memory_space<vmem>>) target_semaphore(%run_scoped3A : memref<!tpu.dma_semaphore, #tpu.memory_space<semaphore_mem>>)
        tpu.wait_dma2 semaphore(%run_scoped3A : memref<!tpu.dma_semaphore, #tpu.memory_space<semaphore_mem>>) src(%arg9 : memref<10112xf32, #tpu.memory_space<vmem_shared>>) dst(%arg8 : memref<10112xf32, #tpu.memory_space<vmem>>)
        tpu.yield
      }) : () -> ()
      %mul3A_20 = arith.constant 10112 : i32
      %mul3A_21 = arith.muli %arg0, %mul3A_20 : i32
      "tpu.region"() ({
        %run_scoped3A = tpu.sem_alloc : memref<!tpu.dma_semaphore, #tpu.memory_space<semaphore_mem>>
        %dma_start3A = tpu.memref_slice %arg5[%mul3A_21] : memref<20224xf32, #tpu.memory_space<hbm>> -> memref<10112xf32, #tpu.memory_space<hbm>>
        %dma_start3A_22 = tpu.memref_slice %arg5[%mul3A_21] : memref<20224xf32, #tpu.memory_space<hbm>> -> memref<10112xf32, #tpu.memory_space<hbm>>
        tpu.enqueue_dma source(%arg8 : memref<10112xf32, #tpu.memory_space<vmem>>) target(%dma_start3A_22 : memref<10112xf32, #tpu.memory_space<hbm>>) target_semaphore(%run_scoped3A : memref<!tpu.dma_semaphore, #tpu.memory_space<semaphore_mem>>)
        %dma_wait3A = tpu.memref_slice %arg5[%mul3A_21] : memref<20224xf32, #tpu.memory_space<hbm>> -> memref<10112xf32, #tpu.memory_space<hbm>>
        %dma_wait3A_23 = tpu.memref_slice %arg5[%mul3A_21] : memref<20224xf32, #tpu.memory_space<hbm>> -> memref<10112xf32, #tpu.memory_space<hbm>>
        tpu.wait_dma2 semaphore(%run_scoped3A : memref<!tpu.dma_semaphore, #tpu.memory_space<semaphore_mem>>) src(%arg8 : memref<10112xf32, #tpu.memory_space<vmem>>) dst(%dma_wait3A_23 : memref<10112xf32, #tpu.memory_space<hbm>>)
        tpu.yield
      }) : () -> ()
    } else {
    }
    return
  }
}

module attributes {stable_mosaic.version = 14 : i64} {
  func.func @_xw_body(%arg0: i32, %arg1: memref<2000x128xf32, #tpu.memory_space<vmem>>, %arg2: memref<128x128xf32, #tpu.memory_space<vmem>>, %arg3: memref<2000x2xf32, #tpu.memory_space<vmem>>, %arg4: memref<2000x128xf32, #tpu.memory_space<vmem>>) attributes {dimension_semantics = [#tpu.dimension_semantics<arbitrary>], iteration_bounds = array<i64: 5>, scalar_prefetch = 0 : i64, scratch_operands = 0 : i64, tpu.core_type = #tpu.core_type<tc>, window_params = [{transform_indices = @transform_0, window_bounds = array<i64: 2000, 128>}, {pipeline_mode = #tpu.pipeline_mode<synchronous>, transform_indices = @transform_1, window_bounds = array<i64: 128, 128>}, {transform_indices = @transform_2, window_bounds = array<i64: 2000, 2>}, {transform_indices = @transform_3, window_bounds = array<i64: 2000, 128>}]} {
    %get3A = arith.constant 0 : index
    %get3A_0 = arith.constant 0 : index
    %get3A_1 = vector.load %arg3[%get3A, %get3A_0] : memref<2000x2xf32, #tpu.memory_space<vmem>>, vector<2000x1xf32>
    %get3A_2 = vector.shape_cast %get3A_1 : vector<2000x1xf32> to vector<2000xf32>
    %get3A_3 = arith.constant 0 : index
    %get3A_4 = arith.constant 1 : index
    %get3A_5 = vector.load %arg3[%get3A_3, %get3A_4] : memref<2000x2xf32, #tpu.memory_space<vmem>>, vector<2000x1xf32>
    %get3A_6 = vector.shape_cast %get3A_5 : vector<2000x1xf32> to vector<2000xf32>
    %add3A = arith.addf %get3A_2, %get3A_6 : vector<2000xf32>
    %add3A_7 = arith.constant 1.000000e+00 : f32
    %add3A_8 = vector.broadcast %add3A_7 : f32 to vector<2000xf32>
    %add3A_9 = arith.addf %add3A, %add3A_8 : vector<2000xf32>
    %rsqrt3A = math.rsqrt %add3A_9 : vector<2000xf32>
    %get3A_10 = arith.constant 0 : index
    %get3A_11 = arith.constant 0 : index
    %get3A_12 = vector.load %arg1[%get3A_10, %get3A_11] : memref<2000x128xf32, #tpu.memory_space<vmem>>, vector<2000x128xf32>
    %get3A_13 = arith.constant 0 : index
    %get3A_14 = arith.constant 0 : index
    %get3A_15 = vector.load %arg2[%get3A_13, %get3A_14] : memref<128x128xf32, #tpu.memory_space<vmem>>, vector<128x128xf32>
    %dot_general3A = arith.constant dense<0.000000e+00> : vector<2000x128xf32>
    %dot_general3A_16 = tpu.matmul %get3A_12, %get3A_15, %dot_general3A {dimension_numbers = #tpu.dot_dimension_numbers<[1], [0], [0], [1], [0, 0, 1, 1], [], []>, transpose_lhs_hint = false} : vector<2000x128xf32>, vector<128x128xf32>, vector<2000x128xf32> -> vector<2000x128xf32>
    %broadcast_in_dim3A = vector.shape_cast %rsqrt3A : vector<2000xf32> to vector<2000x1xf32>
    %mul3A = vector.broadcast %broadcast_in_dim3A : vector<2000x1xf32> to vector<2000x128xf32>
    %mul3A_17 = arith.mulf %dot_general3A_16, %mul3A : vector<2000x128xf32>
    %swap3A = arith.constant 0 : index
    %swap3A_18 = arith.constant 0 : index
    %swap3A_19 = vector.load %arg4[%swap3A, %swap3A_18] : memref<2000x128xf32, #tpu.memory_space<vmem>>, vector<2000x128xf32>
    tpu.vector_store %arg4[%swap3A, %swap3A_18], %mul3A_17 {strides = array<i32>} : memref<2000x128xf32, #tpu.memory_space<vmem>>, vector<2000x128xf32>,
    return
  }
  func.func @transform_0(%arg0: i32) -> (i32, i32) {
    %c0_i32 = arith.constant 0 : i32
    %c0_i32_0 = arith.constant 0 : i32
    return %arg0, %c0_i32 : i32, i32
  }
  func.func @transform_1(%arg0: i32) -> (i32, i32) {
    %c0_i32 = arith.constant 0 : i32
    %c0_i32_0 = arith.constant 0 : i32
    %c0_i32_1 = arith.constant 0 : i32
    return %c0_i32, %c0_i32_0 : i32, i32
  }
  func.func @transform_2(%arg0: i32) -> (i32, i32) {
    %c0_i32 = arith.constant 0 : i32
    %c0_i32_0 = arith.constant 0 : i32
    return %arg0, %c0_i32 : i32, i32
  }
  func.func @transform_3(%arg0: i32) -> (i32, i32) {
    %c0_i32 = arith.constant 0 : i32
    %c0_i32_0 = arith.constant 0 : i32
    return %arg0, %c0_i32 : i32, i32
  }
}

module attributes {stable_mosaic.version = 14 : i64} {
  func.func @_mlp_body(%arg0: i32, %arg1: memref<2x2000x128xf32, #tpu.memory_space<vmem>>, %arg2: memref<2000x128xf32, #tpu.memory_space<vmem>>, %arg3: memref<2000x2xf32, #tpu.memory_space<vmem>>, %arg4: memref<1x128xf32, #tpu.memory_space<vmem>>, %arg5: memref<128x128xf32, #tpu.memory_space<vmem>>, %arg6: memref<1x128xf32, #tpu.memory_space<vmem>>, %arg7: memref<128x128xf32, #tpu.memory_space<vmem>>, %arg8: memref<1x128xf32, #tpu.memory_space<vmem>>, %arg9: memref<2000x128xf32, #tpu.memory_space<vmem>>) attributes {dimension_semantics = [#tpu.dimension_semantics<arbitrary>], iteration_bounds = array<i64: 5>, scalar_prefetch = 0 : i64, scratch_operands = 0 : i64, tpu.core_type = #tpu.core_type<tc>, window_params = [{transform_indices = @transform_0, window_bounds = array<i64: 2, 2000, 128>}, {transform_indices = @transform_1, window_bounds = array<i64: 2000, 128>}, {transform_indices = @transform_2, window_bounds = array<i64: 2000, 2>}, {pipeline_mode = #tpu.pipeline_mode<synchronous>, transform_indices = @transform_3, window_bounds = array<i64: 1, 128>}, {pipeline_mode = #tpu.pipeline_mode<synchronous>, transform_indices = @transform_4, window_bounds = array<i64: 128, 128>}, {pipeline_mode = #tpu.pipeline_mode<synchronous>, transform_indices = @transform_5, window_bounds = array<i64: 1, 128>}, {pipeline_mode = #tpu.pipeline_mode<synchronous>, transform_indices = @transform_6, window_bounds = array<i64: 128, 128>}, {pipeline_mode = #tpu.pipeline_mode<synchronous>, transform_indices = @transform_7, window_bounds = array<i64: 1, 128>}, {transform_indices = @transform_8, window_bounds = array<i64: 2000, 128>}]} {
    %get3A = arith.constant 0 : index
    %get3A_0 = arith.constant 0 : index
    %get3A_1 = vector.load %arg3[%get3A, %get3A_0] : memref<2000x2xf32, #tpu.memory_space<vmem>>, vector<2000x1xf32>
    %get3A_2 = vector.shape_cast %get3A_1 : vector<2000x1xf32> to vector<2000xf32>
    %get3A_3 = arith.constant 0 : index
    %get3A_4 = arith.constant 1 : index
    %get3A_5 = vector.load %arg3[%get3A_3, %get3A_4] : memref<2000x2xf32, #tpu.memory_space<vmem>>, vector<2000x1xf32>
    %get3A_6 = vector.shape_cast %get3A_5 : vector<2000x1xf32> to vector<2000xf32>
    %add3A = arith.addf %get3A_2, %get3A_6 : vector<2000xf32>
    %add3A_7 = arith.constant 1.000000e+00 : f32
    %add3A_8 = vector.broadcast %add3A_7 : f32 to vector<2000xf32>
    %add3A_9 = arith.addf %add3A, %add3A_8 : vector<2000xf32>
    %rsqrt3A = math.rsqrt %add3A_9 : vector<2000xf32>
    %get3A_10 = arith.constant 0 : index
    %get3A_11 = arith.constant 0 : index
    %get3A_12 = arith.constant 0 : index
    %get3A_13 = vector.load %arg1[%get3A_10, %get3A_11, %get3A_12] : memref<2x2000x128xf32, #tpu.memory_space<vmem>>, vector<1x2000x128xf32>
    %get3A_14 = vector.shape_cast %get3A_13 : vector<1x2000x128xf32> to vector<2000x128xf32>
    %get3A_15 = arith.constant 1 : index
    %get3A_16 = arith.constant 0 : index
    %get3A_17 = arith.constant 0 : index
    %get3A_18 = vector.load %arg1[%get3A_15, %get3A_16, %get3A_17] : memref<2x2000x128xf32, #tpu.memory_space<vmem>>, vector<1x2000x128xf32>
    %get3A_19 = vector.shape_cast %get3A_18 : vector<1x2000x128xf32> to vector<2000x128xf32>
    %add3A_20 = arith.addf %get3A_14, %get3A_19 : vector<2000x128xf32>
    %get3A_21 = arith.constant 0 : index
    %get3A_22 = arith.constant 0 : index
    %get3A_23 = vector.load %arg2[%get3A_21, %get3A_22] : memref<2000x128xf32, #tpu.memory_space<vmem>>, vector<2000x128xf32>
    %add3A_24 = arith.addf %add3A_20, %get3A_23 : vector<2000x128xf32>
    %broadcast_in_dim3A = vector.shape_cast %rsqrt3A : vector<2000xf32> to vector<2000x1xf32>
    %mul3A = vector.broadcast %broadcast_in_dim3A : vector<2000x1xf32> to vector<2000x128xf32>
    %mul3A_25 = arith.mulf %add3A_24, %mul3A : vector<2000x128xf32>
    %get3A_26 = arith.constant 0 : index
    %get3A_27 = arith.constant 0 : index
    %get3A_28 = vector.load %arg4[%get3A_26, %get3A_27] : memref<1x128xf32, #tpu.memory_space<vmem>>, vector<1x128xf32>
    %add3A_29 = vector.broadcast %get3A_28 : vector<1x128xf32> to vector<2000x128xf32>
    %add3A_30 = arith.addf %mul3A_25, %add3A_29 : vector<2000x128xf32>
    %max3A = arith.constant 0.000000e+00 : f32
    %max3A_31 = vector.broadcast %max3A : f32 to vector<2000x128xf32>
    %max3A_32 = arith.maximumf %add3A_30, %max3A_31 : vector<2000x128xf32>
    %get3A_33 = arith.constant 0 : index
    %get3A_34 = arith.constant 0 : index
    %get3A_35 = vector.load %arg5[%get3A_33, %get3A_34] : memref<128x128xf32, #tpu.memory_space<vmem>>, vector<128x128xf32>
    %dot_general3A = arith.constant dense<0.000000e+00> : vector<2000x128xf32>
    %dot_general3A_36 = tpu.matmul %max3A_32, %get3A_35, %dot_general3A {dimension_numbers = #tpu.dot_dimension_numbers<[1], [0], [0], [1], [0, 0, 1, 1], [], []>, transpose_lhs_hint = false} : vector<2000x128xf32>, vector<128x128xf32>, vector<2000x128xf32> -> vector<2000x128xf32>
    %get3A_37 = arith.constant 0 : index
    %get3A_38 = arith.constant 0 : index
    %get3A_39 = vector.load %arg6[%get3A_37, %get3A_38] : memref<1x128xf32, #tpu.memory_space<vmem>>, vector<1x128xf32>
    %add3A_40 = vector.broadcast %get3A_39 : vector<1x128xf32> to vector<2000x128xf32>
    %add3A_41 = arith.addf %dot_general3A_36, %add3A_40 : vector<2000x128xf32>
    %tanh3A = math.tanh %add3A_41 : vector<2000x128xf32>
    %get3A_42 = arith.constant 0 : index
    %get3A_43 = arith.constant 0 : index
    %get3A_44 = vector.load %arg7[%get3A_42, %get3A_43] : memref<128x128xf32, #tpu.memory_space<vmem>>, vector<128x128xf32>
    %dot_general3A_45 = arith.constant dense<0.000000e+00> : vector<2000x128xf32>
    %dot_general3A_46 = tpu.matmul %tanh3A, %get3A_44, %dot_general3A_45 {dimension_numbers = #tpu.dot_dimension_numbers<[1], [0], [0], [1], [0, 0, 1, 1], [], []>, transpose_lhs_hint = false} : vector<2000x128xf32>, vector<128x128xf32>, vector<2000x128xf32> -> vector<2000x128xf32>
    %get3A_47 = arith.constant 0 : index
    %get3A_48 = arith.constant 0 : index
    %get3A_49 = vector.load %arg8[%get3A_47, %get3A_48] : memref<1x128xf32, #tpu.memory_space<vmem>>, vector<1x128xf32>
    %add3A_50 = vector.broadcast %get3A_49 : vector<1x128xf32> to vector<2000x128xf32>
    %add3A_51 = arith.addf %dot_general3A_46, %add3A_50 : vector<2000x128xf32>
    %tanh3A_52 = math.tanh %add3A_51 : vector<2000x128xf32>
    %swap3A = arith.constant 0 : index
    %swap3A_53 = arith.constant 0 : index
    %swap3A_54 = vector.load %arg9[%swap3A, %swap3A_53] : memref<2000x128xf32, #tpu.memory_space<vmem>>, vector<2000x128xf32>
    tpu.vector_store %arg9[%swap3A, %swap3A_53], %tanh3A_52 {strides = array<i32>} : memref<2000x128xf32, #tpu.memory_space<vmem>>, vector<2000x128xf32>,
    return
  }
  func.func @transform_0(%arg0: i32) -> (i32, i32, i32) {
    %c0_i32 = arith.constant 0 : i32
    %c0_i32_0 = arith.constant 0 : i32
    %c0_i32_1 = arith.constant 0 : i32
    return %c0_i32, %arg0, %c0_i32_0 : i32, i32, i32
  }
  func.func @transform_1(%arg0: i32) -> (i32, i32) {
    %c0_i32 = arith.constant 0 : i32
    %c0_i32_0 = arith.constant 0 : i32
    return %arg0, %c0_i32 : i32, i32
  }
  func.func @transform_2(%arg0: i32) -> (i32, i32) {
    %c0_i32 = arith.constant 0 : i32
    %c0_i32_0 = arith.constant 0 : i32
    return %arg0, %c0_i32 : i32, i32
  }
  func.func @transform_3(%arg0: i32) -> (i32, i32) {
    %c0_i32 = arith.constant 0 : i32
    %c0_i32_0 = arith.constant 0 : i32
    %c0_i32_1 = arith.constant 0 : i32
    return %c0_i32, %c0_i32_0 : i32, i32
  }
  func.func @transform_4(%arg0: i32) -> (i32, i32) {
    %c0_i32 = arith.constant 0 : i32
    %c0_i32_0 = arith.constant 0 : i32
    %c0_i32_1 = arith.constant 0 : i32
    return %c0_i32, %c0_i32_0 : i32, i32
  }
  func.func @transform_5(%arg0: i32) -> (i32, i32) {
    %c0_i32 = arith.constant 0 : i32
    %c0_i32_0 = arith.constant 0 : i32
    %c0_i32_1 = arith.constant 0 : i32
    return %c0_i32, %c0_i32_0 : i32, i32
  }
  func.func @transform_6(%arg0: i32) -> (i32, i32) {
    %c0_i32 = arith.constant 0 : i32
    %c0_i32_0 = arith.constant 0 : i32
    %c0_i32_1 = arith.constant 0 : i32
    return %c0_i32, %c0_i32_0 : i32, i32
  }
  func.func @transform_7(%arg0: i32) -> (i32, i32) {
    %c0_i32 = arith.constant 0 : i32
    %c0_i32_0 = arith.constant 0 : i32
    %c0_i32_1 = arith.constant 0 : i32
    return %c0_i32, %c0_i32_0 : i32, i32
  }
  func.func @transform_8(%arg0: i32) -> (i32, i32) {
    %c0_i32 = arith.constant 0 : i32
    %c0_i32_0 = arith.constant 0 : i32
    return %arg0, %c0_i32 : i32, i32
  }
}

</mosaic_0001>

<sc_bundles>
// kernel: kernel.6.cloned.1.call-start
scs
__scs_entry_jumppad:
0x0: {  	(pc) =	sbr.rel $0x88, $3  }
0x1: {  	(tag) =	ssettag $0x0;
	lr =	simm.s32 $0x1  }
0x2: {  	[smem:$0x3F99] =	sst lr;
	_ =	strace $0xD0000000  }
0x3: {  	_ = 	snop  }
0x4: {  	_ = 	snop  }
0x5: {  	_ = 	snop  }
0x6: {  	_ = 	snop  }
0x7: {  	_ = 	snop  }
__scs_overlays_trampoline_lowered:
0x8: {  	[smem:$0x3FA8] =	sst s0  }
0x9: {  	[smem:$0x3FA9] =	sst s1  }
0xa: {  	[smem:$0x3FAA] =	sst s2  }
0xb: {  	[smem:$0x3FAB] =	sst s3  }
0xc: {  	[smem:$0x3FAC] =	sst s4  }
0xd: {  	[smem:$0x3FAD] =	sst s5  }
0xe: {  	[smem:$0x3FAE] =	sst s6  }
0xf: {  	[smem:$0x3FAF] =	sst s7  }
0x10: {  	[smem:$0x3FB0] =	sst s8  }
0x11: {  	[smem:$0x3FB1] =	sst s9;
	s0 =	simm.s32 @!p0 $0x0  }
0x12: {  	s1 =	sld [smem:$0x3F97];
	s0 =	simm.s32 @p0 $0x1  }
0x13: {  	[smem:$0x3FB2] =	sst s0;
	s0 =	simm.s32 @!p1 $0x0  }
0x14: {  	s2 =	sld [smem:$0x3F96];
	s0 =	simm.s32 @p1 $0x1  }
0x15: {  	[smem:$0x3FB3] =	sst s0;
	s0 =	simm.s32 @!p2 $0x0  }
0x16: {  	s3 =	sld [smem:$0x3FDB];
	s0 =	simm.s32 @p2 $0x1  }
0x17: {  	s4 =	simm.s32 $0x1BF5;
	[smem:$0x3FB5] =	sst s0  }
0x18: {  	s0 =	sld [smem:$0x3F98];
	_ =	swait.ge [sflag:s4], $0x0  }
0x19: {  	s7 =	sld [smem:$0x3F99]  }
0x1a: {  	s8 =	sadd.s32 $0xFFFFE003, lr  }
0x1b: {  	s9 =	sadd.s32 $0xFFFFFEF7, lr;
	s5 =	simm.s32 $0xFFFFFFFF;
	p2 =	slt.u32 s8, $0xFFFFF086  }
0x1c: {  	p1 =	slt.u32 s9, $0xF7A;
	s5 =	simm.s32 @!p2 $0x0  }
0x1d: {  	s5 =	simm.s32 @p1 $0x1;
	p0 =	seq.s32 s7, s2  }
0x1e: {  	s7 =	smul.u32 @!p0 $0xF7A, s2;
	p2 =	seq.s32 @!p0 s5, $0x0  }
0x1f: {  	s9 =	smul.u32 $0xF7A, s1;
	s8 =	simm.s32 @!p0 $0x1BF5;
	p2 =	por !p2, p0  }
0x20: {  	[sflag:s8] =	ssyncset.s32 @!p0 $0xFFFFF086;
	s6 =	sadd.s32 @!p0 s3, s7;
	s7 =	simm.s32 @!p0 $0x108  }
0x21: {  	s3 =	sadd.s32 s3, s9;
	s6 =	sadd.s32 @!p0 $0x88, s6;
	s7 =	simm.s32 @p2 $0x1082  }
0x22: {  	[simem:s7], [sflag:s8] =	dma.local @!p0 [hbm:s6], $0xF7A  }
0x23: {  	s9 =	sor.u32 $0xD0000000, s2;
	s6 =	simm.s32 $0x108;
	_ =	swait.ge @!p0 [sflag:s8], $0x0  }
0x24: {  	s3 =	sadd.s32 $0x88, s3;
	s6 =	simm.s32 @!p1 $0x1082;
	[sflag:s4] =	ssyncset.s32 $0xFFFFF086  }
0x25: {  	[simem:s6], [sflag:s4] =	dma.local [hbm:s3], $0xF7A  }
0x26: {  	[smem:$0x3F99] =	sst s1;
	(tag) =	ssettag s2;
	_ =	strace s9  }
0x27: {  	s1 =	sld [smem:$0x3FA9]  }
0x28: {  	s2 =	sld [smem:$0x3FAA]  }
0x29: {  	s4 =	sld [smem:$0x3FAC]  }
0x2a: {  	p0 =	seq.s32 s5, $0x0;
	s5 =	sld [smem:$0x3FAD]  }
0x2b: {  	s6 =	sld [smem:$0x3FAE]  }
0x2c: {  	s7 =	sld [smem:$0x3FAF]  }
0x2d: {  	s3 =	simm.s32 $0x108;
	s8 =	sld [smem:$0x3FB0]  }
0x2e: {  	s3 =	simm.s32 @!p0 $0x1082;
	s9 =	sld [smem:$0x3FB1]  }
0x2f: {  	lr =	sadd.s32 s0, s3;
	s0 =	sld [smem:$0x3FA8]  }
0x30: {  	s3 =	sld [smem:$0x3FAB]  }
0x31: {  	[smem:$0x3FB4] =	sst s10  }
0x32: {  	s10 =	sld [smem:$0x3FB2];
	_ =	sdelay $0x3  }
0x33: {  	p0 =	seq.s32 s10, $0x1;
	s10 =	sld [smem:$0x3FB4];
	_ =	sdelay $0x3  }
0x34: {  	[smem:$0x3FB4] =	sst s10  }
0x35: {  	s10 =	sld [smem:$0x3FB3];
	_ =	sdelay $0x3  }
0x36: {  	p1 =	seq.s32 s10, $0x1;
	s10 =	sld [smem:$0x3FB4];
	_ =	sdelay $0x3  }
0x37: {  	[smem:$0x3FB4] =	sst s10  }
0x38: {  	s10 =	sld [smem:$0x3FB5]  }
0x39: {  	_ = 	snop;
	(pc) =	sbr.ind lr, $3  }
0x3a: {  	_ = 	snop  }
0x3b: {  	_ = 	snop  }
0x3c: {  	p2 =	seq.s32 s10, $0x1;
	s10 =	sld [smem:$0x3FB4]  }
0x3d: {  	_ =	shalt  }
0x3e: {  	_ =	shalt  }
0x3f: {  	_ =	shalt  }
0x40: {  	_ =	shalt  }
0x41: {  	_ =	shalt  }
0x42: {  	_ =	shalt  }
0x43: {  	_ =	shalt  }
0x44: {  	_ =	shalt  }
0x45: {  	_ =	shalt  }
0x46: {  	_ =	shalt  }
0x47: {  	_ =	shalt  }
0x48: {  	_ =	shalt  }
0x49: {  	_ =	shalt  }
0x4a: {  	_ =	shalt  }
0x4b: {  	_ =	shalt  }
0x4c: {  	_ =	shalt  }
0x4d: {  	_ =	shalt  }
0x4e: {  	_ =	shalt  }
0x4f: {  	_ =	shalt  }
0x50: {  	_ =	shalt  }
0x51: {  	_ =	shalt  }
0x52: {  	_ =	shalt  }
0x53: {  	_ =	shalt  }
0x54: {  	_ =	shalt  }
0x55: {  	_ =	shalt  }
0x56: {  	_ =	shalt  }
0x57: {  	_ =	shalt  }
0x58: {  	_ =	shalt  }
0x59: {  	_ =	shalt  }
0x5a: {  	_ =	shalt  }
0x5b: {  	_ =	shalt  }
0x5c: {  	_ =	shalt  }
0x5d: {  	_ =	shalt  }
0x5e: {  	_ =	shalt  }
0x5f: {  	_ =	shalt  }
0x60: {  	_ =	shalt  }
0x61: {  	_ =	shalt  }
0x62: {  	_ =	shalt  }
0x63: {  	_ =	shalt  }
0x64: {  	_ =	shalt  }
0x65: {  	_ =	shalt  }
0x66: {  	_ =	shalt  }
0x67: {  	_ =	shalt  }
0x68: {  	_ =	shalt  }
0x69: {  	_ =	shalt  }
0x6a: {  	_ =	shalt  }
0x6b: {  	_ =	shalt  }
0x6c: {  	_ =	shalt  }
0x6d: {  	_ =	shalt  }
0x6e: {  	_ =	shalt  }
0x6f: {  	_ =	shalt  }
0x70: {  	_ =	shalt  }
0x71: {  	_ =	shalt  }
0x72: {  	_ =	shalt  }
0x73: {  	_ =	shalt  }
0x74: {  	_ =	shalt  }
0x75: {  	_ =	shalt  }
0x76: {  	_ =	shalt  }
0x77: {  	_ =	shalt  }
0x78: {  	_ =	shalt  }
0x79: {  	_ =	shalt  }
0x7a: {  	_ =	shalt  }
0x7b: {  	_ =	shalt  }
0x7c: {  	_ =	shalt  }
0x7d: {  	_ =	shalt  }
0x7e: {  	_ =	shalt  }
0x7f: {  	_ =	shalt  }
0x80: {  	_ =	shalt  }
0x81: {  	_ =	shalt  }
0x82: {  	_ =	shalt  }
0x83: {  	_ =	shalt  }
0x84: {  	_ =	shalt  }
0x85: {  	_ =	shalt  }
0x86: {  	_ =	shalt  }
0x87: {  	_ =	shalt  }
.Lfunc_end0:
.L_simem_size_0:
called_computation_lowered:
.L_overlay_start_0:
0x88: {  	s2 =	sld [smem:$0x3FD9]  }
0x89: {  	s3 =	sld [smem:$0x3FFE];
	_ =	sdelay $0x1  }
0x8a: {  	s1 =	srdreg.scid  }
0x8b: {  	s0 =	sand.u32 $0x1, s1  }
0x8c: {  	s17 =	sshll.u32 s0, $0xA;
	s2 =	sadd.s32 s3, s2  }
0x8d: {  	s2 =	sadd.s32 s2, s17  }
0x8e: {  	[smem:$0x3FC0] =	sst s2  }
0x8f: {  	_ = 	snop  }
0x90: {  	s2 =	sld [smem:$0x3FD0];
	(tm) =	ssettm $0x1  }
0x91: {  	s18 =	sld [smem:$0x3FFB];
	_ =	sdelay $0x3  }
0x92: {  	_ =	strace s18  }
0x93: {  	s3 =	sld [smem:$0x3FFC];
	_ =	sdelay $0x3  }
0x94: {  	_ =	strace s3  }
0x95: {  	s3 =	sld [smem:$0x3FFD];
	_ =	sdelay $0x3  }
0x96: {  	_ =	strace s3  }
0x97: {  	_ =	strace $0x8FFFFFFF  }
0x98: {  	s19 =	sld [smem:$0x3FDB];
	_ =	sdelay $0x1  }
0x99: {  	s4 =	simm.s32 $_scs_section_size  }
0x9a: {  	s5 =	simm.s32 $_size__tile_overlayer_lowered;
	s6 =	simm.s32 $_tile_overlayer_lowered  }
0x9b: {  	s22 =	simm.s32 $0x1BFF;
	s21 =	sshll.u32 s6, $0x1;
	s3 =	sadd.s32 s4, s19  }
0x9c: {  	s7 =	simm.s32 $0x0;
	s20 =	sshll.u32 s5, $0x1;
	s5 =	sadd.s32 s21, s3  }
0x9d: {  	[timem:s7], [sflag:s22] =	dma.local [hbm:s5], s20  }
0x9e: {  	_ =	swait.ge [sflag:s22], s20  }
0x9f: {  	s4 =	ssub.s32 $0x0, s20;
	[sflag:s22] =	ssyncset.done $0x0  }
0xa0: {  	[sflag:s22] =	ssyncadd.s32 s4;
	_ =	sdelay $0x1  }
0xa1: {  	s23 =	simm.s32 $0x1B8B  }
0xa2: {  	_ =	swait.ge [sflag:s23], $0x1  }
0xa3: {  	[sflag:s23] =	ssyncset.done $0x0  }
0xa4: {  	s25 =	simm.s32 $0x1B8E;
	s24 =	sld [smem:$0x3FFE];
	[sflag:s23] =	ssyncadd.s32 $0xFFFFFFFF  }
0xa5: {  	s26 =	simm.s32 $execute0_lowered;
	[smem:$0x3FD2] =	sst s25  }
0xa6: {  	s5 =	sshll.u32 s26, $0x1;
	_ =	strace $0x80000046;
	[dreg:$0x1] =	wrdreg $0xFFFFFFFF  }
0xa7: {  	s28 =	simm.s32 $_size_execute0_lowered;
	s3 =	sadd.s32 s3, s5;
	[dreg:$0x0] =	wrdreg $0x0  }
0xa8: {  	s5 =	sshll.u32 s28, $0x1;
	[dreg:$0x2] =	wrdreg s3  }
0xa9: {  	[dreg:$0x3] =	wrdreg s5  }
0xaa: {  	[dreg:$0x4] =	wrdreg $0xC0  }
0xab: {  	_ =	task [dreg:s7], $0x5FFFF  }
0xac: {  	[dreg:$0x1] =	wrdreg $0xFFFFFFFF  }
0xad: {  	[dreg:$0x0] =	wrdreg $0x60  }
0xae: {  	[dreg:$0x2] =	wrdreg s24  }
0xaf: {  	[dreg:$0x3] =	wrdreg s2  }
0xb0: {  	[dreg:$0x4] =	wrdreg $0x50000  }
0xb1: {  	[dreg:$0x5] =	wrdreg $0x9  }
0xb2: {  	_ =	task.clear_ibuf [dreg:s7], $0x6FFFF;
	_ =	strace $0x90000046  }
0xb3: {  	s29 =	simm.s32 $0x9;
	_ =	strace $0x80000048  }
0xb4: {  	_ =	swait.ge [sflag:s29], $0x1  }
0xb5: {  	[sflag:s29] =	ssyncadd.s32 $0xFFFFFFFF  }
0xb6: {  	_ =	strace $0x90000048  }
0xb7: {  	_ =	sfence  }
0xb8: {  	s30 =	sld [smem:$0x0];
	_ =	sdelay $0x2  }
0xb9: {  	s31 =	sshll.u32 s1, $0xD;
	s1 =	sshrl.u32 s1, $0x2  }
0xba: {  	s3 =	sand.u32 $0x4000, s31;
	s1 =	sadd.s32 s1, s30  }
0xbb: {  	s0 =	sor.u32 s3, s0;
	s1 =	sshll.u32 s1, $0x11  }
0xbc: {  	s0 =	sor.u32 s1, s0  }
0xbd: {  	s0 =	sadd.s32 $0x8F2B, s0  }
0xbe: {  	[sflag:s0] =	ssyncadd.remote.s32 $0x1  }
0xbf: {  	_ =	sfence.sel $0xFFFF  }
0xc0: {  	[dreg:$0x0] =	wrdreg $0xFFFFFFFF;
	(pc) =	sbr.abs _section_cstart, $3  }
0xc1: {  	[dreg:$0x1] =	wrdreg $0xFFFFFFFF  }
0xc2: {  	_ =	task.clear_ibuf [dreg:s7], $0x2FFFF;
	_ =	strace $0x9FFFFFFF  }
0xc3: {  	(tm) =	ssettm $0x7FFFFFFF  }
tec
execute0_lowered:
.L_overlay_start_1:
0x0: {  	(tag) =	ssettag $0x1  }
0x1: {  	s4 =	rddreg [dreg:$0x0]  }
0x2: {  	s6 =	rddreg [dreg:$0x1];
	s0 =	srdreg.scid  }
0x3: {  	s8 =	stileid.u32;
	s1 =	rddreg [dreg:$0x2]  }
0x4: {  	s2 =	simm.s32 $0x0;
	s11 =	simm.s32 $0x1;
	s12 =	simm.s32 $0x0  }
0x5: {  	s3 =	sand.u32 $0x1, s0;
	s5 =	sshll.u32 s8, $0x1;
	s0 =	rddreg [dreg:$0x3]  }
0x6: {  	[smem:$0x7FF] =	sst s2;
	p0 =	sne.s32 s8, $0x0;
	s8 =	simm.s32 $0x2  }
0x7: {  	s5 =	sor.u32 s3, s5;
	s7 =	ssub.s32 $0x2, s3;
	s10 =	smul.u32 $0x4F0, s3  }
0x8: {  	_ =	strace $0x80000047;
	s5 =	smul.u32 $0x500, s5;
	s9 =	sshrl.u32 s7, $0x1  }
0x9: {  	s3 =	sadd.s32 $0x15E00, s4;
	s7 =	ssub.s32 s7, s9;
	s6 =	sadd.s32 s6, s10  }
0xa: {  	s9 =	simm.s32 $0x2800;
	s10 =	simm.s32 $0x80;
	s5 =	sadd.s32 s5, s4  }
0xb: {  	s4 =	sadd.s32 $0x15C00, s4;
	s7 =	smax.u32 s7, $0x1;
	s5 =	sadd.s32 $0x1C00, s5  }
.LBB2_1:
0xc: {  	s13 =	simm.s32 @!p0 $0x0;
	s14 =	simm.s32 @!p0 $0x2880  }
0xd: {  	[tilespmem:s14], [sflag:$0x2] =	stream.linear.gather @!p0 [hbm4b:s3+s13], $0x2780, $0x38;
	[tilespmem:$0x5278] =	vst v63  }
0xe: {  	s13 =	simm.s32 @!p0 $0x2  }
0xf: {  	_ =	swait.ge @!p0 [sflag:s13], $0x2780  }
0x10: {  	[sflag:s13] =	ssyncset.done @!p0 $0x0  }
0x11: {  	[sflag:s13] =	ssyncadd.s32 @!p0 $0xFFFFD880  }
0x12: {  	[spmem:s1] =	stream.linear.scatter @!p0 [tilespmem:s14], [sflag:$0x2], $0x2780, $0x38;
	[tilespmem:$0x5278] =	vst v63  }
0x13: {  	_ =	swait.ge @!p0 [sflag:s13], $0x2780  }
0x14: {  	[sflag:s13] =	ssyncset.done @!p0 $0x0  }
0x15: {  	[sflag:s13] =	ssyncadd.s32 @!p0 $0xFFFFD880  }
0x16: {  	[bflag:$0x0] =	sbarrier.arrive $0xFFFF  }
0x17: {  	[tilespmem:s2], [sflag:$0x2] =	stream.linear.gather [hbm4b:s5+s2], $0x2800, $0x38;
	[tilespmem:$0x5278] =	vst v63  }
0x18: {  	_ =	swait.ge [sflag:s8], $0x2800  }
0x19: {  	[sflag:s8] =	ssyncset.done $0x0  }
0x1a: {  	[sflag:s8] =	ssyncadd.s32 $0xFFFFD800  }
0x1b: {  	[tilespmem:s9], [sflag:$0x2] =	stream.linear.gather [hbm4b:s4+s2], $0x80, $0x38;
	[tilespmem:$0x5278] =	vst v63  }
0x1c: {  	_ =	swait.ge [sflag:s8], $0x80  }
0x1d: {  	[sflag:s8] =	ssyncset.done $0x0  }
0x1e: {  	s13 =	simm.s32 $0x0;
	[sflag:s8] =	ssyncadd.s32 $0xFFFFFF80  }
.LBB2_2:
0x1f: {  	p1 =	sne.s32 s13, $0x9E00  }
.Ltmp0:
0x20: {  	_ = 	snop;
	(pc) =	sbr.rel @p1 .LBB2_2-.Ltmp0, $3  }
0x21: {  	_ =	sdelay $0x1  }
0x22: {  	s14 =	sshra.s32 s13, $0x2;
	s13 =	sadd.s32 $0x200, s13  }
0x23: {  	[spmem:s1] =	stream.indirect.scatter.add.f32 [tilespmem:s9], [sflag:$0x1], $0x1, s14, s10, $0xb8;
	[tilespmem:$0x5278] =	vst v63  }
0x24: {  	_ =	swait.ge [sflag:s11], $0x80  }
0x25: {  	s13 =	simm.s32 $0x4F;
	[sflag:s11] =	ssyncset.done $0x0  }
.LBB2_4:
0x26: {  	p1 =	sne.s32 s13, $0x1;
	s13 =	sadd.s32 $0xFFFFFFFF, s13;
	[sflag:s11] =	ssyncadd.s32 $0xFFFFFF80  }
.Ltmp1:
0x27: {  	(pc) =	sbr.rel @p1 .LBB2_4-.Ltmp1, $3  }
0x28: {  	_ =	sdelay $0x1  }
0x29: {  	_ =	swait.ge [sflag:s11], $0x80  }
0x2a: {  	[sflag:s11] =	ssyncset.done $0x0  }
0x2b: {  	[sflag:s11] =	ssyncadd.s32 $0xFFFFFF80  }
0x2c: {  	s13 =	simm.s32 @!p0 $0x2880;
	s14 =	simm.s32 @!p0 $0x2;
	[bflag:$0x0] =	sbarrier.arrive $0xFFFF  }
0x2d: {  	[tilespmem:s13], [sflag:$0x2] =	stream.linear.gather @!p0 [spmem:s1], $0x2780, $0x38;
	[tilespmem:$0x5278] =	vst v63  }
0x2e: {  	s12 =	sadd.s32 $0x1, s12;
	_ =	swait.ge @!p0 [sflag:s14], $0x2780  }
0x2f: {  	p1 =	sne.s32 s12, s7;
	[sflag:s14] =	ssyncset.done @!p0 $0x0  }
.Ltmp2:
0x30: {  	s15 =	simm.s32 @!p0 $0x0;
	[sflag:s14] =	ssyncadd.s32 @!p0 $0xFFFFD880;
	(pc) =	sbr.rel @p1 .LBB2_1-.Ltmp2, $4  }
0x31: {  	[hbm4b:s6+s15] =	stream.linear.scatter @!p0 [tilespmem:s13], [sflag:$0x2], $0x2780, $0x38;
	[tilespmem:$0x5278] =	vst v63  }
0x32: {  	_ =	swait.ge @!p0 [sflag:s14], $0x2780  }
0x33: {  	[sflag:s14] =	ssyncset.done @!p0 $0x0  }
0x34: {  	[sflag:s14] =	ssyncadd.s32 @!p0 $0xFFFFD880  }
0x35: {  	_ =	sfence.sel $0x180000  }
0x36: {  	[bflag:$0x0] =	sbarrier.arrive $0xFFFF  }
0x37: {  	_ =	strace $0x90000047  }
0x38: {  	s0 =	sadd.s32 @!p0 $0x100000, s0;
	[bflag:$0x2] =	sbarrier.arrive $0xFFFF  }
0x39: {  	[sflag:s0] =	ssyncadd.tile.s32 @!p0 $0x1;
	_ =	shalt  }
.Lfunc_end2:
_tile_overlayer_lowered:
.L_overlay_start_2:
0x3a: {  	(tag) =	ssettag $0x2  }
0x3b: {  	s0 =	rddreg [dreg:$0x0];
	s2 =	stileid.u32  }
0x3c: {  	s1 =	rddreg [dreg:$0x1];
	p0 =	sne.s32 s2, $0x0  }
0x3d: {  	s3 =	rddreg [dreg:$0x2];
	[bflag:$0x3] =	sbarrier.arrive $0xFFFF;
	s2 =	simm.s32 @!p0 $0x1C02  }
0x3e: {  	[timem:s3], [sflag:s2] =	dma.local @!p0 [hbm:s0], s1  }
0x3f: {  	s0 =	simm.s32 @!p0 $0x2  }
0x40: {  	_ =	swait.ge @!p0 [sflag:s0], s1  }
0x41: {  	s1 =	ssub.s32 @!p0 $0x0, s1;
	[sflag:s0] =	ssyncset.done @!p0 $0x0  }
0x42: {  	[sflag:s0] =	ssyncadd.s32 @!p0 s1  }
0x43: {  	[bflag:$0x3] =	sbarrier.arrive $0xFFFF  }
0x44: {  	_ =	shalt  }

// kernel: kernel.9.cloned.1.call-start
scs
__scs_entry_jumppad:
0x0: {  	(pc) =	sbr.rel $0x88, $3  }
0x1: {  	(tag) =	ssettag $0x0;
	lr =	simm.s32 $0x1  }
0x2: {  	[smem:$0x3F99] =	sst lr;
	_ =	strace $0xD0000000  }
0x3: {  	_ = 	snop  }
0x4: {  	_ = 	snop  }
0x5: {  	_ = 	snop  }
0x6: {  	_ = 	snop  }
0x7: {  	_ = 	snop  }
__scs_overlays_trampoline_lowered:
0x8: {  	[smem:$0x3FA8] =	sst s0  }
0x9: {  	[smem:$0x3FA9] =	sst s1  }
0xa: {  	[smem:$0x3FAA] =	sst s2  }
0xb: {  	[smem:$0x3FAB] =	sst s3  }
0xc: {  	[smem:$0x3FAC] =	sst s4  }
0xd: {  	[smem:$0x3FAD] =	sst s5  }
0xe: {  	[smem:$0x3FAE] =	sst s6  }
0xf: {  	[smem:$0x3FAF] =	sst s7  }
0x10: {  	[smem:$0x3FB0] =	sst s8  }
0x11: {  	[smem:$0x3FB1] =	sst s9;
	s0 =	simm.s32 @!p0 $0x0  }
0x12: {  	s1 =	sld [smem:$0x3F97];
	s0 =	simm.s32 @p0 $0x1  }
0x13: {  	[smem:$0x3FB2] =	sst s0;
	s0 =	simm.s32 @!p1 $0x0  }
0x14: {  	s2 =	sld [smem:$0x3F96];
	s0 =	simm.s32 @p1 $0x1  }
0x15: {  	[smem:$0x3FB3] =	sst s0;
	s0 =	simm.s32 @!p2 $0x0  }
0x16: {  	s3 =	sld [smem:$0x3FDB];
	s0 =	simm.s32 @p2 $0x1  }
0x17: {  	s4 =	simm.s32 $0x1BF5;
	[smem:$0x3FB5] =	sst s0  }
0x18: {  	s0 =	sld [smem:$0x3F98];
	_ =	swait.ge [sflag:s4], $0x0  }
0x19: {  	s7 =	sld [smem:$0x3F99]  }
0x1a: {  	s8 =	sadd.s32 $0xFFFFE003, lr  }
0x1b: {  	s9 =	sadd.s32 $0xFFFFFEF7, lr;
	s5 =	simm.s32 $0xFFFFFFFF;
	p2 =	slt.u32 s8, $0xFFFFF086  }
0x1c: {  	p1 =	slt.u32 s9, $0xF7A;
	s5 =	simm.s32 @!p2 $0x0  }
0x1d: {  	s5 =	simm.s32 @p1 $0x1;
	p0 =	seq.s32 s7, s2  }
0x1e: {  	s7 =	smul.u32 @!p0 $0xF7A, s2;
	p2 =	seq.s32 @!p0 s5, $0x0  }
0x1f: {  	s9 =	smul.u32 $0xF7A, s1;
	s8 =	simm.s32 @!p0 $0x1BF5;
	p2 =	por !p2, p0  }
0x20: {  	[sflag:s8] =	ssyncset.s32 @!p0 $0xFFFFF086;
	s6 =	sadd.s32 @!p0 s3, s7;
	s7 =	simm.s32 @!p0 $0x108  }
0x21: {  	s3 =	sadd.s32 s3, s9;
	s6 =	sadd.s32 @!p0 $0x88, s6;
	s7 =	simm.s32 @p2 $0x1082  }
0x22: {  	[simem:s7], [sflag:s8] =	dma.local @!p0 [hbm:s6], $0xF7A  }
0x23: {  	s9 =	sor.u32 $0xD0000000, s2;
	s6 =	simm.s32 $0x108;
	_ =	swait.ge @!p0 [sflag:s8], $0x0  }
0x24: {  	s3 =	sadd.s32 $0x88, s3;
	s6 =	simm.s32 @!p1 $0x1082;
	[sflag:s4] =	ssyncset.s32 $0xFFFFF086  }
0x25: {  	[simem:s6], [sflag:s4] =	dma.local [hbm:s3], $0xF7A  }
0x26: {  	[smem:$0x3F99] =	sst s1;
	(tag) =	ssettag s2;
	_ =	strace s9  }
0x27: {  	s1 =	sld [smem:$0x3FA9]  }
0x28: {  	s2 =	sld [smem:$0x3FAA]  }
0x29: {  	s4 =	sld [smem:$0x3FAC]  }
0x2a: {  	p0 =	seq.s32 s5, $0x0;
	s5 =	sld [smem:$0x3FAD]  }
0x2b: {  	s6 =	sld [smem:$0x3FAE]  }
0x2c: {  	s7 =	sld [smem:$0x3FAF]  }
0x2d: {  	s3 =	simm.s32 $0x108;
	s8 =	sld [smem:$0x3FB0]  }
0x2e: {  	s3 =	simm.s32 @!p0 $0x1082;
	s9 =	sld [smem:$0x3FB1]  }
0x2f: {  	lr =	sadd.s32 s0, s3;
	s0 =	sld [smem:$0x3FA8]  }
0x30: {  	s3 =	sld [smem:$0x3FAB]  }
0x31: {  	[smem:$0x3FB4] =	sst s10  }
0x32: {  	s10 =	sld [smem:$0x3FB2];
	_ =	sdelay $0x3  }
0x33: {  	p0 =	seq.s32 s10, $0x1;
	s10 =	sld [smem:$0x3FB4];
	_ =	sdelay $0x3  }
0x34: {  	[smem:$0x3FB4] =	sst s10  }
0x35: {  	s10 =	sld [smem:$0x3FB3];
	_ =	sdelay $0x3  }
0x36: {  	p1 =	seq.s32 s10, $0x1;
	s10 =	sld [smem:$0x3FB4];
	_ =	sdelay $0x3  }
0x37: {  	[smem:$0x3FB4] =	sst s10  }
0x38: {  	s10 =	sld [smem:$0x3FB5]  }
0x39: {  	_ = 	snop;
	(pc) =	sbr.ind lr, $3  }
0x3a: {  	_ = 	snop  }
0x3b: {  	_ = 	snop  }
0x3c: {  	p2 =	seq.s32 s10, $0x1;
	s10 =	sld [smem:$0x3FB4]  }
0x3d: {  	_ =	shalt  }
0x3e: {  	_ =	shalt  }
0x3f: {  	_ =	shalt  }
0x40: {  	_ =	shalt  }
0x41: {  	_ =	shalt  }
0x42: {  	_ =	shalt  }
0x43: {  	_ =	shalt  }
0x44: {  	_ =	shalt  }
0x45: {  	_ =	shalt  }
0x46: {  	_ =	shalt  }
0x47: {  	_ =	shalt  }
0x48: {  	_ =	shalt  }
0x49: {  	_ =	shalt  }
0x4a: {  	_ =	shalt  }
0x4b: {  	_ =	shalt  }
0x4c: {  	_ =	shalt  }
0x4d: {  	_ =	shalt  }
0x4e: {  	_ =	shalt  }
0x4f: {  	_ =	shalt  }
0x50: {  	_ =	shalt  }
0x51: {  	_ =	shalt  }
0x52: {  	_ =	shalt  }
0x53: {  	_ =	shalt  }
0x54: {  	_ =	shalt  }
0x55: {  	_ =	shalt  }
0x56: {  	_ =	shalt  }
0x57: {  	_ =	shalt  }
0x58: {  	_ =	shalt  }
0x59: {  	_ =	shalt  }
0x5a: {  	_ =	shalt  }
0x5b: {  	_ =	shalt  }
0x5c: {  	_ =	shalt  }
0x5d: {  	_ =	shalt  }
0x5e: {  	_ =	shalt  }
0x5f: {  	_ =	shalt  }
0x60: {  	_ =	shalt  }
0x61: {  	_ =	shalt  }
0x62: {  	_ =	shalt  }
0x63: {  	_ =	shalt  }
0x64: {  	_ =	shalt  }
0x65: {  	_ =	shalt  }
0x66: {  	_ =	shalt  }
0x67: {  	_ =	shalt  }
0x68: {  	_ =	shalt  }
0x69: {  	_ =	shalt  }
0x6a: {  	_ =	shalt  }
0x6b: {  	_ =	shalt  }
0x6c: {  	_ =	shalt  }
0x6d: {  	_ =	shalt  }
0x6e: {  	_ =	shalt  }
0x6f: {  	_ =	shalt  }
0x70: {  	_ =	shalt  }
0x71: {  	_ =	shalt  }
0x72: {  	_ =	shalt  }
0x73: {  	_ =	shalt  }
0x74: {  	_ =	shalt  }
0x75: {  	_ =	shalt  }
0x76: {  	_ =	shalt  }
0x77: {  	_ =	shalt  }
0x78: {  	_ =	shalt  }
0x79: {  	_ =	shalt  }
0x7a: {  	_ =	shalt  }
0x7b: {  	_ =	shalt  }
0x7c: {  	_ =	shalt  }
0x7d: {  	_ =	shalt  }
0x7e: {  	_ =	shalt  }
0x7f: {  	_ =	shalt  }
0x80: {  	_ =	shalt  }
0x81: {  	_ =	shalt  }
0x82: {  	_ =	shalt  }
0x83: {  	_ =	shalt  }
0x84: {  	_ =	shalt  }
0x85: {  	_ =	shalt  }
0x86: {  	_ =	shalt  }
0x87: {  	_ =	shalt  }
.Lfunc_end0:
.L_simem_size_0:
called_computation.1_lowered:
.L_overlay_start_0:
0x88: {  	s2 =	sld [smem:$0x3FD9]  }
0x89: {  	s3 =	sld [smem:$0x3FFE];
	_ =	sdelay $0x1  }
0x8a: {  	s1 =	srdreg.scid  }
0x8b: {  	s0 =	sand.u32 $0x1, s1  }
0x8c: {  	s17 =	sshll.u32 s0, $0xA;
	s2 =	sadd.s32 s3, s2  }
0x8d: {  	s2 =	sadd.s32 s2, s17  }
0x8e: {  	[smem:$0x3FC0] =	sst s2  }
0x8f: {  	_ = 	snop  }
0x90: {  	s2 =	sld [smem:$0x3FD0];
	(tm) =	ssettm $0x1  }
0x91: {  	s18 =	sld [smem:$0x3FFB];
	_ =	sdelay $0x3  }
0x92: {  	_ =	strace s18  }
0x93: {  	s3 =	sld [smem:$0x3FFC];
	_ =	sdelay $0x3  }
0x94: {  	_ =	strace s3  }
0x95: {  	s3 =	sld [smem:$0x3FFD];
	_ =	sdelay $0x3  }
0x96: {  	_ =	strace s3  }
0x97: {  	_ =	strace $0x8FFFFFFF  }
0x98: {  	s19 =	sld [smem:$0x3FDB];
	_ =	sdelay $0x1  }
0x99: {  	s4 =	simm.s32 $_scs_section_size  }
0x9a: {  	s5 =	simm.s32 $_size__tile_overlayer_lowered;
	s6 =	simm.s32 $_tile_overlayer_lowered  }
0x9b: {  	s22 =	simm.s32 $0x1BFF;
	s21 =	sshll.u32 s6, $0x1;
	s3 =	sadd.s32 s4, s19  }
0x9c: {  	s7 =	simm.s32 $0x0;
	s20 =	sshll.u32 s5, $0x1;
	s5 =	sadd.s32 s21, s3  }
0x9d: {  	[timem:s7], [sflag:s22] =	dma.local [hbm:s5], s20  }
0x9e: {  	_ =	swait.ge [sflag:s22], s20  }
0x9f: {  	s4 =	ssub.s32 $0x0, s20;
	[sflag:s22] =	ssyncset.done $0x0  }
0xa0: {  	[sflag:s22] =	ssyncadd.s32 s4;
	_ =	sdelay $0x1  }
0xa1: {  	s23 =	simm.s32 $0x1B8B  }
0xa2: {  	_ =	swait.ge [sflag:s23], $0x1  }
0xa3: {  	[sflag:s23] =	ssyncset.done $0x0  }
0xa4: {  	s25 =	simm.s32 $0x1B8E;
	s24 =	sld [smem:$0x3FFE];
	[sflag:s23] =	ssyncadd.s32 $0xFFFFFFFF  }
0xa5: {  	s26 =	simm.s32 $execute0_lowered;
	[smem:$0x3FD2] =	sst s25  }
0xa6: {  	s5 =	sshll.u32 s26, $0x1;
	_ =	strace $0x80000049;
	[dreg:$0x1] =	wrdreg $0xFFFFFFFF  }
0xa7: {  	s28 =	simm.s32 $_size_execute0_lowered;
	s3 =	sadd.s32 s3, s5;
	[dreg:$0x0] =	wrdreg $0x0  }
0xa8: {  	s5 =	sshll.u32 s28, $0x1;
	[dreg:$0x2] =	wrdreg s3  }
0xa9: {  	[dreg:$0x3] =	wrdreg s5  }
0xaa: {  	[dreg:$0x4] =	wrdreg $0xC0  }
0xab: {  	_ =	task [dreg:s7], $0x5FFFF  }
0xac: {  	[dreg:$0x1] =	wrdreg $0xFFFFFFFF  }
0xad: {  	[dreg:$0x0] =	wrdreg $0x60  }
0xae: {  	[dreg:$0x2] =	wrdreg s2  }
0xaf: {  	[dreg:$0x3] =	wrdreg s24  }
0xb0: {  	[dreg:$0x4] =	wrdreg $0xA8000  }
0xb1: {  	[dreg:$0x5] =	wrdreg $0x9  }
0xb2: {  	_ =	task.clear_ibuf [dreg:s7], $0x6FFFF;
	_ =	strace $0x90000049  }
0xb3: {  	s29 =	simm.s32 $0x9;
	_ =	strace $0x8000004B  }
0xb4: {  	_ =	swait.ge [sflag:s29], $0x1  }
0xb5: {  	[sflag:s29] =	ssyncadd.s32 $0xFFFFFFFF  }
0xb6: {  	_ =	strace $0x9000004B  }
0xb7: {  	_ =	sfence  }
0xb8: {  	s30 =	sld [smem:$0x0];
	_ =	sdelay $0x2  }
0xb9: {  	s31 =	sshll.u32 s1, $0xD;
	s1 =	sshrl.u32 s1, $0x2  }
0xba: {  	s3 =	sand.u32 $0x4000, s31;
	s1 =	sadd.s32 s1, s30  }
0xbb: {  	s0 =	sor.u32 s3, s0;
	s1 =	sshll.u32 s1, $0x11  }
0xbc: {  	s0 =	sor.u32 s1, s0  }
0xbd: {  	s0 =	sadd.s32 $0x8F2B, s0  }
0xbe: {  	[sflag:s0] =	ssyncadd.remote.s32 $0x1  }
0xbf: {  	_ =	sfence.sel $0xFFFF  }
0xc0: {  	[dreg:$0x0] =	wrdreg $0xFFFFFFFF;
	(pc) =	sbr.abs _section_cstart, $3  }
0xc1: {  	[dreg:$0x1] =	wrdreg $0xFFFFFFFF  }
0xc2: {  	_ =	task.clear_ibuf [dreg:s7], $0x2FFFF;
	_ =	strace $0x9FFFFFFF  }
0xc3: {  	(tm) =	ssettm $0x7FFFFFFF  }
tec
execute0_lowered:
.L_overlay_start_1:
0x0: {  	(tag) =	ssettag $0x1  }
0x1: {  	s1 =	rddreg [dreg:$0x0]  }
0x2: {  	s6 =	rddreg [dreg:$0x1]  }
0x3: {  	s2 =	rddreg [dreg:$0x2]  }
0x4: {  	s0 =	rddreg [dreg:$0x3];
	s4 =	simm.s32 $0x0;
	s5 =	srdreg.scid  }
0x5: {  	s3 =	stileid.u32;
	s14 =	simm.s32 $0x80;
	s15 =	simm.s32 $0x2800  }
0x6: {  	s18 =	simm.s32 $0x6800;
	s19 =	simm.s32 $0x1;
	s20 =	simm.s32 $0x2  }
0x7: {  	s21 =	simm.s32 $0x1380;
	s22 =	simm.s32 $0x2700;
	s23 =	simm.s32 $0x2780  }
0x8: {  	s24 =	simm.s32 $0x0;
	[smem:$0x7FF] =	sst s4;
	s7 =	sand.u32 $0x1, s5  }
0x9: {  	s8 =	smul.u32 $0x2780, s3;
	s25 =	sshll.u32 s3, $0x1;
	s9 =	sadd.s32 $0xBC00, s6  }
0xa: {  	s12 =	sadd.s32 $0x1C00, s6;
	s5 =	sadd.s32 $0x15C00, s6;
	s26 =	smul.u32 $0x4F000, s3  }
0xb: {  	s16 =	sshll.u32 s3, $0x6;
	_ =	strace $0x8000004A;
	s10 =	smul.u32 $0x27800, s7  }
0xc: {  	s11 =	sor.u32 s7, s25;
	s7 =	ssub.s32 $0x2, s7;
	s16 =	sor.u32 $0x1C03, s16  }
0xd: {  	s11 =	smul.u32 $0x2800, s11;
	s28 =	sshrl.u32 s7, $0x1;
	s8 =	sadd.s32 s8, s10  }
0xe: {  	s30 =	ssub.s32 s7, s28;
	s10 =	sshrl.u32 s26, $0x2;
	s13 =	sadd.s32 s8, s6  }
0xf: {  	s29 =	sshrl.u32 s11, $0x3;
	s17 =	sadd.s32 s10, s2;
	s11 =	smax.u32 s30, $0x1  }
0x10: {  	s6 =	sadd.s32 s9, s29;
	s7 =	sadd.s32 s12, s29;
	s31 =	sadd.s32 $0x280, s29  }
0x11: {  	s10 =	sadd.s32 $0x18400, s13;
	s13 =	simm.s32 $0x1400;
	s17 =	sshrl.u32 s17, $0x3  }
0x12: {  	s8 =	sadd.s32 s9, s31;
	s9 =	sadd.s32 s12, s31;
	s12 =	simm.s32 $0x3  }
.LBB2_1:
0x13: {  	[tilespmem:s4], [sflag:$0x3] =	stream.linear.gather [hbm4b:s6+s4], $0x1400, $0x38;
	[tilespmem:$0x1E400] =	vst v63  }
0x14: {  	_ =	swait.ge [sflag:s12], $0x1400  }
0x15: {  	[sflag:s12] =	ssyncset.done $0x0  }
0x16: {  	[sflag:s12] =	ssyncadd.s32 $0xFFFFEC00  }
0x17: {  	[tilespmem:s13], [sflag:$0x3] =	stream.linear.gather [hbm4b:s7+s4], $0x1400, $0x38;
	[tilespmem:$0x1E400] =	vst v63  }
0x18: {  	_ =	swait.ge [sflag:s12], $0x1400  }
0x19: {  	[sflag:s12] =	ssyncset.done $0x0  }
0x1a: {  	[sflag:s12] =	ssyncadd.s32 $0xFFFFEC00  }
0x1b: {  	[tilespmem:s15], [sflag:$0x1] =	stream.indirect.gather [hbm4b:s1+s14], $0x80, s4, s14, $0xb8;
	[tilespmem:$0x1E400] =	vst v63  }
0x1c: {  	[spmem:s17], [sflag:s16] =	dma.local [hbm:s5], $0x2780  }
0x1d: {  	_ =	swait.ge [sflag:s12], $0x2780  }
0x1e: {  	[sflag:s12] =	ssyncset.done $0x0  }
0x1f: {  	[sflag:s12] =	ssyncadd.s32 $0xFFFFD880  }
0x20: {  	s25 =	simm.s32 $0x80;
	[bflag:$0x0] =	sbarrier.arrive $0xFFFF  }
0x21: {  	[tilespmem:s18], [sflag:$0x2] =	stream.indirect.gather [hbm4b:s1+s14], $0x80, s25, s14, $0xb8;
	[tilespmem:$0x1E400] =	vst v63  }
0x22: {  	_ =	swait.ge [sflag:s19], $0x4000  }
0x23: {  	[sflag:s19] =	ssyncset.done $0x0  }
0x24: {  	s29 =	simm.s32 $0x1400;
	[sflag:s19] =	ssyncadd.s32 $0xFFFFC000  }
0x25: {  	[spmem:s2] =	stream.indirect.scatter.add.f32 [tilespmem:s15], [sflag:$0x3], $0x80, s29, s14, $0xb8;
	[tilespmem:$0x1E400] =	vst v63  }
0x26: {  	_ =	swait.ge [sflag:s12], $0x4000  }
0x27: {  	[sflag:s12] =	ssyncset.done $0x0  }
0x28: {  	s30 =	simm.s32 $0x100;
	[sflag:s12] =	ssyncadd.s32 $0xFFFFC000  }
0x29: {  	[tilespmem:s15], [sflag:$0x1] =	stream.indirect.gather [hbm4b:s1+s14], $0x80, s30, s14, $0xb8;
	[tilespmem:$0x1E400] =	vst v63  }
0x2a: {  	_ =	swait.ge [sflag:s20], $0x4000  }
0x2b: {  	[sflag:s20] =	ssyncset.done $0x0  }
0x2c: {  	s31 =	simm.s32 $0x1480;
	[sflag:s20] =	ssyncadd.s32 $0xFFFFC000  }
0x2d: {  	[spmem:s2] =	stream.indirect.scatter.add.f32 [tilespmem:s18], [sflag:$0x3], $0x80, s31, s14, $0xb8;
	[tilespmem:$0x1E400] =	vst v63  }
0x2e: {  	_ =	swait.ge [sflag:s12], $0x4000  }
0x2f: {  	s26 =	simm.s32 $0x800;
	s25 =	simm.s32 $0x100;
	[sflag:s12] =	ssyncset.done $0x0  }
.LBB2_2:
0x30: {  	s28 =	sadd.s32 $0x80, s25  }
0x31: {  	[sflag:s12] =	ssyncadd.s32 $0xFFFFC000;
	s29 =	smov.u32 s26;
	s30 =	sadd.s32 $0x400, s26  }
0x32: {  	[tilespmem:s18], [sflag:$0x2] =	stream.indirect.gather [hbm4b:s1+s14], $0x80, s28, s14, $0xb8;
	[tilespmem:$0x1E400] =	vst v63  }
0x33: {  	p0 =	sne.s32 s26, $0x4800;
	_ =	swait.ge [sflag:s19], $0x4000  }
0x34: {  	[sflag:s19] =	ssyncset.done $0x0  }
0x35: {  	s26 =	sadd.s32 $0x1400, s25;
	[sflag:s19] =	ssyncadd.s32 $0xFFFFC000  }
0x36: {  	[spmem:s2] =	stream.indirect.scatter.add.f32 [tilespmem:s15], [sflag:$0x3], $0x80, s26, s14, $0xb8;
	[tilespmem:$0x1E400] =	vst v63  }
0x37: {  	_ =	swait.ge [sflag:s12], $0x4000  }
0x38: {  	[sflag:s12] =	ssyncset.done $0x0  }
0x39: {  	s26 =	sadd.s32 $0x100, s25;
	[sflag:s12] =	ssyncadd.s32 $0xFFFFC000  }
0x3a: {  	[tilespmem:s15], [sflag:$0x1] =	stream.indirect.gather [hbm4b:s1+s14], $0x80, s26, s14, $0xb8;
	[tilespmem:$0x1E400] =	vst v63  }
0x3b: {  	_ =	swait.ge [sflag:s20], $0x4000  }
.Ltmp0:
0x3c: {  	[sflag:s20] =	ssyncset.done $0x0;
	(pc) =	sbr.rel @p0 .LBB2_2-.Ltmp0, $4  }
0x3d: {  	s25 =	sadd.s32 $0x1480, s25;
	[sflag:s20] =	ssyncadd.s32 $0xFFFFC000  }
0x3e: {  	[spmem:s2] =	stream.indirect.scatter.add.f32 [tilespmem:s18], [sflag:$0x3], $0x80, s25, s14, $0xb8;
	[tilespmem:$0x1E400] =	vst v63  }
0x3f: {  	_ =	swait.ge [sflag:s12], $0x4000  }
0x40: {  	s26 =	smov.u32 s30;
	s25 =	sshra.s32 s29, $0x2;
	[sflag:s12] =	ssyncset.done $0x0  }
0x41: {  	s26 =	sadd.s32 $0x80, s25;
	[sflag:s12] =	ssyncadd.s32 $0xFFFFC000  }
0x42: {  	[tilespmem:s18], [sflag:$0x2] =	stream.indirect.gather [hbm4b:s1+s14], $0x80, s26, s14, $0xb8;
	[tilespmem:$0x1E400] =	vst v63  }
0x43: {  	_ =	swait.ge [sflag:s19], $0x4000  }
0x44: {  	[sflag:s19] =	ssyncset.done $0x0  }
0x45: {  	s29 =	sadd.s32 $0x1400, s25;
	[sflag:s19] =	ssyncadd.s32 $0xFFFFC000  }
0x46: {  	[spmem:s2] =	stream.indirect.scatter.add.f32 [tilespmem:s15], [sflag:$0x3], $0x80, s29, s14, $0xb8;
	[tilespmem:$0x1E400] =	vst v63  }
0x47: {  	_ =	swait.ge [sflag:s12], $0x4000  }
0x48: {  	[sflag:s12] =	ssyncset.done $0x0  }
0x49: {  	s30 =	sadd.s32 $0x100, s25;
	[sflag:s12] =	ssyncadd.s32 $0xFFFFC000  }
0x4a: {  	[tilespmem:s15], [sflag:$0x1] =	stream.indirect.gather [hbm4b:s1+s14], $0x80, s30, s14, $0xb8;
	[tilespmem:$0x1E400] =	vst v63  }
0x4b: {  	_ =	swait.ge [sflag:s20], $0x4000  }
0x4c: {  	[sflag:s20] =	ssyncset.done $0x0  }
0x4d: {  	s31 =	sadd.s32 $0x1480, s25;
	[sflag:s20] =	ssyncadd.s32 $0xFFFFC000  }
0x4e: {  	[spmem:s2] =	stream.indirect.scatter.add.f32 [tilespmem:s18], [sflag:$0x3], $0x80, s31, s14, $0xb8;
	[tilespmem:$0x1E400] =	vst v63  }
0x4f: {  	_ =	swait.ge [sflag:s12], $0x4000  }
0x50: {  	[sflag:s12] =	ssyncset.done $0x0  }
0x51: {  	[sflag:s12] =	ssyncadd.s32 $0xFFFFC000  }
0x52: {  	[tilespmem:s18], [sflag:$0x2] =	stream.indirect.gather [hbm4b:s1+s14], $0x80, s21, s14, $0xb8;
	[tilespmem:$0x1E400] =	vst v63  }
0x53: {  	_ =	swait.ge [sflag:s19], $0x4000  }
0x54: {  	[sflag:s19] =	ssyncset.done $0x0  }
0x55: {  	[sflag:s19] =	ssyncadd.s32 $0xFFFFC000  }
0x56: {  	[spmem:s2] =	stream.indirect.scatter.add.f32 [tilespmem:s15], [sflag:$0x3], $0x80, s22, s14, $0xb8;
	[tilespmem:$0x1E400] =	vst v63  }
0x57: {  	_ =	swait.ge [sflag:s12], $0x4000  }
0x58: {  	[sflag:s12] =	ssyncset.done $0x0  }
0x59: {  	[sflag:s12] =	ssyncadd.s32 $0xFFFFC000  }
0x5a: {  	_ =	swait.ge [sflag:s20], $0x4000  }
0x5b: {  	[sflag:s20] =	ssyncset.done $0x0  }
0x5c: {  	[sflag:s20] =	ssyncadd.s32 $0xFFFFC000  }
0x5d: {  	[spmem:s2] =	stream.indirect.scatter.add.f32 [tilespmem:s18], [sflag:$0x3], $0x80, s23, s14, $0xb8;
	[tilespmem:$0x1E400] =	vst v63  }
0x5e: {  	_ =	swait.ge [sflag:s12], $0x4000  }
0x5f: {  	[sflag:s12] =	ssyncset.done $0x0  }
0x60: {  	s26 =	simm.s32 $0x0;
	[sflag:s12] =	ssyncadd.s32 $0xFFFFC000  }
0x61: {  	[tilespmem:s26], [sflag:$0x3] =	stream.linear.gather [hbm4b:s8+s26], $0x1400, $0x38;
	[tilespmem:$0x1E400] =	vst v63  }
0x62: {  	_ =	swait.ge [sflag:s12], $0x1400  }
0x63: {  	[sflag:s12] =	ssyncset.done $0x0  }
0x64: {  	[sflag:s12] =	ssyncadd.s32 $0xFFFFEC00  }
0x65: {  	[tilespmem:s13], [sflag:$0x3] =	stream.linear.gather [hbm4b:s9+s26], $0x1400, $0x38;
	[tilespmem:$0x1E400] =	vst v63  }
0x66: {  	_ =	swait.ge [sflag:s12], $0x1400  }
0x67: {  	[sflag:s12] =	ssyncset.done $0x0  }
0x68: {  	[sflag:s12] =	ssyncadd.s32 $0xFFFFEC00  }
0x69: {  	[tilespmem:s15], [sflag:$0x1] =	stream.indirect.gather [hbm4b:s1+s14], $0x80, s26, s14, $0xb8;
	[tilespmem:$0x1E400] =	vst v63  }
0x6a: {  	s28 =	simm.s32 $0x80  }
0x6b: {  	[tilespmem:s18], [sflag:$0x2] =	stream.indirect.gather [hbm4b:s1+s14], $0x80, s28, s14, $0xb8;
	[tilespmem:$0x1E400] =	vst v63  }
0x6c: {  	_ =	swait.ge [sflag:s19], $0x4000  }
0x6d: {  	[sflag:s19] =	ssyncset.done $0x0  }
0x6e: {  	s29 =	simm.s32 $0x1400;
	[sflag:s19] =	ssyncadd.s32 $0xFFFFC000  }
0x6f: {  	[spmem:s2] =	stream.indirect.scatter.add.f32 [tilespmem:s15], [sflag:$0x3], $0x80, s29, s14, $0xb8;
	[tilespmem:$0x1E400] =	vst v63  }
0x70: {  	_ =	swait.ge [sflag:s12], $0x4000  }
0x71: {  	[sflag:s12] =	ssyncset.done $0x0  }
0x72: {  	s30 =	simm.s32 $0x100;
	[sflag:s12] =	ssyncadd.s32 $0xFFFFC000  }
0x73: {  	[tilespmem:s15], [sflag:$0x1] =	stream.indirect.gather [hbm4b:s1+s14], $0x80, s30, s14, $0xb8;
	[tilespmem:$0x1E400] =	vst v63  }
0x74: {  	_ =	swait.ge [sflag:s20], $0x4000  }
0x75: {  	[sflag:s20] =	ssyncset.done $0x0  }
0x76: {  	s31 =	simm.s32 $0x1480;
	[sflag:s20] =	ssyncadd.s32 $0xFFFFC000  }
0x77: {  	[spmem:s2] =	stream.indirect.scatter.add.f32 [tilespmem:s18], [sflag:$0x3], $0x80, s31, s14, $0xb8;
	[tilespmem:$0x1E400] =	vst v63  }
0x78: {  	_ =	swait.ge [sflag:s12], $0x4000  }
0x79: {  	s25 =	simm.s32 $0x100;
	s26 =	simm.s32 $0x800;
	[sflag:s12] =	ssyncset.done $0x0  }
.LBB2_4:
0x7a: {  	s28 =	sadd.s32 $0x80, s25  }
0x7b: {  	[sflag:s12] =	ssyncadd.s32 $0xFFFFC000;
	s29 =	smov.u32 s26;
	s30 =	sadd.s32 $0x400, s26  }
0x7c: {  	[tilespmem:s18], [sflag:$0x2] =	stream.indirect.gather [hbm4b:s1+s14], $0x80, s28, s14, $0xb8;
	[tilespmem:$0x1E400] =	vst v63  }
0x7d: {  	p0 =	sne.s32 s26, $0x4800;
	_ =	swait.ge [sflag:s19], $0x4000  }
0x7e: {  	[sflag:s19] =	ssyncset.done $0x0  }
0x7f: {  	s26 =	sadd.s32 $0x1400, s25;
	[sflag:s19] =	ssyncadd.s32 $0xFFFFC000  }
0x80: {  	[spmem:s2] =	stream.indirect.scatter.add.f32 [tilespmem:s15], [sflag:$0x3], $0x80, s26, s14, $0xb8;
	[tilespmem:$0x1E400] =	vst v63  }
0x81: {  	_ =	swait.ge [sflag:s12], $0x4000  }
0x82: {  	[sflag:s12] =	ssyncset.done $0x0  }
0x83: {  	s26 =	sadd.s32 $0x100, s25;
	[sflag:s12] =	ssyncadd.s32 $0xFFFFC000  }
0x84: {  	[tilespmem:s15], [sflag:$0x1] =	stream.indirect.gather [hbm4b:s1+s14], $0x80, s26, s14, $0xb8;
	[tilespmem:$0x1E400] =	vst v63  }
0x85: {  	_ =	swait.ge [sflag:s20], $0x4000  }
.Ltmp1:
0x86: {  	[sflag:s20] =	ssyncset.done $0x0;
	(pc) =	sbr.rel @p0 .LBB2_4-.Ltmp1, $4  }
0x87: {  	s25 =	sadd.s32 $0x1480, s25;
	[sflag:s20] =	ssyncadd.s32 $0xFFFFC000  }
0x88: {  	[spmem:s2] =	stream.indirect.scatter.add.f32 [tilespmem:s18], [sflag:$0x3], $0x80, s25, s14, $0xb8;
	[tilespmem:$0x1E400] =	vst v63  }
0x89: {  	_ =	swait.ge [sflag:s12], $0x4000  }
0x8a: {  	s26 =	smov.u32 s30;
	s25 =	sshra.s32 s29, $0x2;
	[sflag:s12] =	ssyncset.done $0x0  }
0x8b: {  	s26 =	sadd.s32 $0x80, s25;
	[sflag:s12] =	ssyncadd.s32 $0xFFFFC000  }
0x8c: {  	[tilespmem:s18], [sflag:$0x2] =	stream.indirect.gather [hbm4b:s1+s14], $0x80, s26, s14, $0xb8;
	[tilespmem:$0x1E400] =	vst v63  }
0x8d: {  	_ =	swait.ge [sflag:s19], $0x4000  }
0x8e: {  	[sflag:s19] =	ssyncset.done $0x0  }
0x8f: {  	s29 =	sadd.s32 $0x1400, s25;
	[sflag:s19] =	ssyncadd.s32 $0xFFFFC000  }
0x90: {  	[spmem:s2] =	stream.indirect.scatter.add.f32 [tilespmem:s15], [sflag:$0x3], $0x80, s29, s14, $0xb8;
	[tilespmem:$0x1E400] =	vst v63  }
0x91: {  	_ =	swait.ge [sflag:s12], $0x4000  }
0x92: {  	[sflag:s12] =	ssyncset.done $0x0  }
0x93: {  	s30 =	sadd.s32 $0x100, s25;
	[sflag:s12] =	ssyncadd.s32 $0xFFFFC000  }
0x94: {  	[tilespmem:s15], [sflag:$0x1] =	stream.indirect.gather [hbm4b:s1+s14], $0x80, s30, s14, $0xb8;
	[tilespmem:$0x1E400] =	vst v63  }
0x95: {  	_ =	swait.ge [sflag:s20], $0x4000  }
0x96: {  	[sflag:s20] =	ssyncset.done $0x0  }
0x97: {  	s31 =	sadd.s32 $0x1480, s25;
	[sflag:s20] =	ssyncadd.s32 $0xFFFFC000  }
0x98: {  	[spmem:s2] =	stream.indirect.scatter.add.f32 [tilespmem:s18], [sflag:$0x3], $0x80, s31, s14, $0xb8;
	[tilespmem:$0x1E400] =	vst v63  }
0x99: {  	_ =	swait.ge [sflag:s12], $0x4000  }
0x9a: {  	[sflag:s12] =	ssyncset.done $0x0  }
0x9b: {  	[sflag:s12] =	ssyncadd.s32 $0xFFFFC000  }
0x9c: {  	[tilespmem:s18], [sflag:$0x2] =	stream.indirect.gather [hbm4b:s1+s14], $0x80, s21, s14, $0xb8;
	[tilespmem:$0x1E400] =	vst v63  }
0x9d: {  	_ =	swait.ge [sflag:s19], $0x4000  }
0x9e: {  	[sflag:s19] =	ssyncset.done $0x0  }
0x9f: {  	[sflag:s19] =	ssyncadd.s32 $0xFFFFC000  }
0xa0: {  	[spmem:s2] =	stream.indirect.scatter.add.f32 [tilespmem:s15], [sflag:$0x3], $0x80, s22, s14, $0xb8;
	[tilespmem:$0x1E400] =	vst v63  }
0xa1: {  	_ =	swait.ge [sflag:s12], $0x4000  }
0xa2: {  	[sflag:s12] =	ssyncset.done $0x0  }
0xa3: {  	[sflag:s12] =	ssyncadd.s32 $0xFFFFC000  }
0xa4: {  	_ =	swait.ge [sflag:s20], $0x4000  }
0xa5: {  	[sflag:s20] =	ssyncset.done $0x0  }
0xa6: {  	[sflag:s20] =	ssyncadd.s32 $0xFFFFC000  }
0xa7: {  	[spmem:s2] =	stream.indirect.scatter.add.f32 [tilespmem:s18], [sflag:$0x3], $0x80, s23, s14, $0xb8;
	[tilespmem:$0x1E400] =	vst v63  }
0xa8: {  	_ =	swait.ge [sflag:s12], $0x4000  }
0xa9: {  	s24 =	sadd.s32 $0x1, s24;
	[sflag:s12] =	ssyncset.done $0x0  }
0xaa: {  	p0 =	sne.s32 s24, s11;
	[sflag:s12] =	ssyncadd.s32 $0xFFFFC000  }
.Ltmp2:
0xab: {  	[bflag:$0x0] =	sbarrier.arrive $0xFFFF;
	(pc) =	sbr.rel @p0 .LBB2_1-.Ltmp2, $4  }
0xac: {  	[hbm:s10], [sflag:s16] =	dma.local [spmem:s17], $0x2780  }
0xad: {  	_ =	swait.ge [sflag:s12], $0x2780  }
0xae: {  	[sflag:s12] =	ssyncset.done $0x0  }
0xaf: {  	[sflag:s12] =	ssyncadd.s32 $0xFFFFD880  }
0xb0: {  	_ =	sfence.sel $0x180000  }
0xb1: {  	[bflag:$0x0] =	sbarrier.arrive $0xFFFF  }
0xb2: {  	p0 =	sne.s32 s3, $0x0;
	_ =	strace $0x9000004A  }
0xb3: {  	s0 =	sadd.s32 @!p0 $0x100000, s0;
	[bflag:$0x2] =	sbarrier.arrive $0xFFFF  }
0xb4: {  	[sflag:s0] =	ssyncadd.tile.s32 @!p0 $0x1;
	_ =	shalt  }
.Lfunc_end2:
_tile_overlayer_lowered:
.L_overlay_start_2:
0xb5: {  	(tag) =	ssettag $0x2  }
0xb6: {  	s0 =	rddreg [dreg:$0x0];
	s2 =	stileid.u32  }
0xb7: {  	s1 =	rddreg [dreg:$0x1];
	p0 =	sne.s32 s2, $0x0  }
0xb8: {  	s3 =	rddreg [dreg:$0x2];
	[bflag:$0x3] =	sbarrier.arrive $0xFFFF;
	s2 =	simm.s32 @!p0 $0x1C03  }
0xb9: {  	[timem:s3], [sflag:s2] =	dma.local @!p0 [hbm:s0], s1  }
0xba: {  	s0 =	simm.s32 @!p0 $0x3  }
0xbb: {  	_ =	swait.ge @!p0 [sflag:s0], s1  }
0xbc: {  	s1 =	ssub.s32 @!p0 $0x0, s1;
	[sflag:s0] =	ssyncset.done @!p0 $0x0  }
0xbd: {  	[sflag:s0] =	ssyncadd.s32 @!p0 s1  }
0xbe: {  	[bflag:$0x3] =	sbarrier.arrive $0xFFFF  }
0xbf: {  	_ =	shalt  }

</sc_bundles>
